<compile_context>
chip_gen: v7x
topology: tpu7x:2x2x1
jax: 0.10.2.dev20260603
libtpu: 0.0.44.dev20260713+nightly
codegen_flags: <defaults>
</compile_context>

<pallas_src>
import functools

import jax
import jax.numpy as jnp
from jax import lax
from jax.experimental import pallas as pl
from jax.experimental.pallas import tpu as pltpu
from jax.experimental.pallas import tpu_sc as plsc

NC = 2
NS = 16
NW = NC * NS
CH = 125


def _deg_body(rows_per_w, e3, zeros1, deg0_out, deg1_out,
              idx_v, ones_v, deg_sh):
  cid = lax.axis_index("c")
  sid = lax.axis_index("s")
  w = cid * NS + sid

  for i in range(8):
    ones_v[pl.ds(i * 16, 16)] = jnp.ones((16,), jnp.float32)

  @pl.when(sid == 0)
  def _():
    pltpu.sync_copy(zeros1, deg_sh)

  plsc.subcore_barrier()
  pltpu.sync_copy(e3.at[1, pl.ds(w * rows_per_w, rows_per_w)], idx_v)

  def step(j, carry):
    pltpu.sync_copy(ones_v.at[pl.ds(0, CH)], deg_sh.at[idx_v.at[j]], add=True)
    return carry

  lax.fori_loop(0, rows_per_w, step, 0)
  plsc.subcore_barrier()

  @pl.when((sid == 0) & (cid == 0))
  def _():
    pltpu.sync_copy(deg_sh, deg0_out)

  @pl.when((sid == 0) & (cid == 1))
  def _():
    pltpu.sync_copy(deg_sh, deg1_out)


def _deg_call(e3, zeros1, npad):
  rows = e3.shape[1]
  assert rows % NW == 0
  rows_per_w = rows // NW
  mesh = plsc.VectorSubcoreMesh(core_axis_name="c", subcore_axis_name="s")
  return pl.kernel(
      functools.partial(_deg_body, rows_per_w),
      out_type=[
          jax.ShapeDtypeStruct((npad,), jnp.float32),
          jax.ShapeDtypeStruct((npad,), jnp.float32),
      ],
      mesh=mesh,
      scratch_types=[
          pltpu.VMEM((rows_per_w, CH), jnp.int32),
          pltpu.VMEM((128,), jnp.float32),
          pltpu.VMEM_SHARED((npad,), jnp.float32),
      ],
  )(e3, zeros1)


def _mm_body(x_ref, w_ref, d0_ref, d1_ref, y_ref, dis_ref):
  xw = jnp.dot(x_ref[...], w_ref[...], preferred_element_type=jnp.float32)
  deg = d0_ref[...] + d1_ref[...] + 1.0
  dis = lax.rsqrt(deg)
  y_ref[...] = xw * dis
  dis_ref[...] = dis


def _mm_call(x, w, d0, d1):
  n, din = x.shape
  dout = w.shape[1]
  blk = 512
  grid = n // blk
  return pl.pallas_call(
      _mm_body,
      grid=(grid,),
      in_specs=[
          pl.BlockSpec((blk, din), lambda i: (i, 0)),
          pl.BlockSpec((din, dout), lambda i: (0, 0)),
          pl.BlockSpec((blk, 1), lambda i: (i, 0)),
          pl.BlockSpec((blk, 1), lambda i: (i, 0)),
      ],
      out_specs=[
          pl.BlockSpec((blk, dout), lambda i: (i, 0)),
          pl.BlockSpec((blk, 1), lambda i: (i, 0)),
      ],
      out_shape=[
          jax.ShapeDtypeStruct((n, dout), jnp.float32),
          jax.ShapeDtypeStruct((n, 1), jnp.float32),
      ],
  )(x, w, d0, d1)


GRP = 8


def _agg_body(npad, rows_per_w, y_hbm, e3, zeros2d, p_out,
              sa_s, sa_d, sb_s, sb_d, rows0, rows1, acc_sh,
              sg0, sg1, si0, si1):
  rows_bufs = (rows0, rows1)
  gsems = (sg0, sg1)
  cid = lax.axis_index("c")
  sid = lax.axis_index("s")
  w = cid * NS + sid
  rpt = npad // NS
  base_row = w * rows_per_w
  n_sg = rows_per_w // GRP

  def process(src_i, dst_i):
    cps = [None, None]
    cps[0] = pltpu.async_copy(y_hbm.at[src_i.at[0]], rows_bufs[0], gsems[0])
    for k in range(GRP):
      nb = (k + 1) % 2
      if k + 1 < GRP:
        cps[nb] = pltpu.async_copy(
            y_hbm.at[src_i.at[k + 1]], rows_bufs[nb], gsems[nb])
      cps[k % 2].wait()
      pltpu.sync_copy(rows_bufs[k % 2], acc_sh.at[dst_i.at[k]], add=True)

  @pl.when(cid == 0)
  def _():
    pltpu.sync_copy(y_hbm.at[pl.ds(sid * rpt, rpt)],
                    acc_sh.at[pl.ds(sid * rpt, rpt)])

  @pl.when(cid == 1)
  def _():
    pltpu.sync_copy(zeros2d.at[pl.ds(sid * rpt, rpt)],
                    acc_sh.at[pl.ds(sid * rpt, rpt)])

  pltpu.sync_copy(e3.at[0, pl.ds(base_row, GRP)], sa_s)
  pltpu.sync_copy(e3.at[1, pl.ds(base_row, GRP)], sa_d)
  plsc.subcore_barrier()

  def body(i, carry):
    b0 = base_row + 2 * i * GRP

    pltpu.async_copy(e3.at[0, pl.ds(b0 + GRP, GRP)], sb_s, si0)
    pltpu.async_copy(e3.at[1, pl.ds(b0 + GRP, GRP)], sb_d, si1)
    process(sa_s, sa_d)
    pltpu.make_async_copy(e3.at[0, pl.ds(b0 + GRP, GRP)], sb_s, si0).wait()
    pltpu.make_async_copy(e3.at[1, pl.ds(b0 + GRP, GRP)], sb_d, si1).wait()

    nxt = b0 + 2 * GRP

    @pl.when(i + 1 < n_sg // 2)
    def _():
      pltpu.async_copy(e3.at[0, pl.ds(nxt, GRP)], sa_s, si0)
      pltpu.async_copy(e3.at[1, pl.ds(nxt, GRP)], sa_d, si1)

    process(sb_s, sb_d)

    @pl.when(i + 1 < n_sg // 2)
    def _():
      pltpu.make_async_copy(e3.at[0, pl.ds(nxt, GRP)], sa_s, si0).wait()
      pltpu.make_async_copy(e3.at[1, pl.ds(nxt, GRP)], sa_d, si1).wait()

    return carry

  assert n_sg % 2 == 0
  lax.fori_loop(0, n_sg // 2, body, 0)
  plsc.subcore_barrier()

  pltpu.sync_copy(acc_sh.at[pl.ds(sid * rpt, rpt)],
                  p_out.at[cid, pl.ds(sid * rpt, rpt)])


def _agg_call(y, e3, zeros2d):
  npad, d = y.shape
  rows = e3.shape[1]
  assert rows % NW == 0 and npad % NS == 0
  rows_per_w = rows // NW
  mesh = plsc.VectorSubcoreMesh(core_axis_name="c", subcore_axis_name="s")
  return pl.kernel(
      functools.partial(_agg_body, npad, rows_per_w),
      out_type=jax.ShapeDtypeStruct((NC, npad, d), jnp.float32),
      mesh=mesh,
      scratch_types=[
          pltpu.VMEM((GRP, CH), jnp.int32),
          pltpu.VMEM((GRP, CH), jnp.int32),
          pltpu.VMEM((GRP, CH), jnp.int32),
          pltpu.VMEM((GRP, CH), jnp.int32),
          pltpu.VMEM((CH, d), jnp.float32),
          pltpu.VMEM((CH, d), jnp.float32),
          pltpu.VMEM_SHARED((npad, d), jnp.float32),
          pltpu.SemaphoreType.DMA,
          pltpu.SemaphoreType.DMA,
          pltpu.SemaphoreType.DMA,
          pltpu.SemaphoreType.DMA,
      ],
  )(y, e3, zeros2d)


def _fin_body(p_ref, dis_ref, b_ref, o_ref):
  acc = p_ref[0] + p_ref[1]
  o_ref[...] = jnp.maximum(dis_ref[...] * acc + b_ref[...], 0.0)


def _fin_call(p, dis, b2d, n):
  _, npad, d = p.shape
  blk = 400
  grid = n // blk
  return pl.pallas_call(
      _fin_body,
      grid=(grid,),
      in_specs=[
          pl.BlockSpec((NC, blk, d), lambda i: (0, i, 0)),
          pl.BlockSpec((blk, 1), lambda i: (i, 0)),
          pl.BlockSpec((1, d), lambda i: (0, 0)),
      ],
      out_specs=pl.BlockSpec((blk, d), lambda i: (i, 0)),
      out_shape=jax.ShapeDtypeStruct((n, d), jnp.float32),
  )(p, dis, b2d)


@jax.jit
def kernel(x, edge_index, W, b):
  n, din = x.shape
  e = edge_index.shape[1]
  dout = W.shape[1]
  assert e % (NW * CH) == 0
  npad = ((n + 511) // 512) * 512

  xp = jnp.pad(x, ((0, npad - n), (0, 0)))
  e3 = edge_index.reshape(2, e // CH, CH)
  zeros1 = jnp.zeros((npad,), jnp.float32)
  zeros2d = jnp.zeros((npad, dout), jnp.float32)

  deg0, deg1 = _deg_call(e3, zeros1, npad)
  y, dis = _mm_call(xp, W, deg0.reshape(npad, 1), deg1.reshape(npad, 1))
  p = _agg_call(y, e3, zeros2d)
  return _fin_call(p, dis, b.reshape(1, -1), n)

# --- scband reference (transcript-rebuilt; emitter-appended) ---
"""Pipeline reference for scband-gcnlayer-3075196584514 (READ-ONLY COPY).

The authoritative reference and input builder live on the scoring server;
editing this copy changes nothing except your own understanding.
"""

import jax, jax.numpy as jnp
import numpy as np

N = 10000
E = 320000
D_IN = 128
D_OUT = 128


def setup_inputs(seed: int = 0) -> dict:
    key = jax.random.key(seed)
    k1, k2, k3 = jax.random.split(key, 3)
    x = jax.random.normal(k1, (N, D_IN), dtype=jnp.float32)
    edge_index = jax.random.randint(k2, (2, E), 0, N, dtype=jnp.int32)
    # xavier_uniform_ with gain for relu = sqrt(2)
    gain = float(np.sqrt(2.0))
    limit = gain * float(np.sqrt(6.0 / (D_IN + D_OUT)))
    W = jax.random.uniform(k3, (D_IN, D_OUT), dtype=jnp.float32, minval=-limit, maxval=limit)
    b = jnp.zeros((D_OUT,), dtype=jnp.float32)
    return {"x": x, "edge_index": edge_index, "W": W, "b": b}


def reference(x, edge_index, W, b):
    # GCNConv (PyG semantics): add self-loops, symmetric normalization,
    # aggregate messages source->target, then bias; followed by ReLU.
    src = edge_index[0]
    dst = edge_index[1]
    loops = jnp.arange(N, dtype=src.dtype)
    src = jnp.concatenate([src, loops])
    dst = jnp.concatenate([dst, loops])
    xw = x @ W
    ones = jnp.ones(dst.shape[0], dtype=xw.dtype)
    deg = jax.ops.segment_sum(ones, dst, num_segments=N)
    deg_inv_sqrt = jnp.where(deg > 0, jax.lax.rsqrt(jnp.maximum(deg, 1e-12)), 0.0)
    norm = deg_inv_sqrt[src] * deg_inv_sqrt[dst]
    msgs = xw[src] * norm[:, None]
    out = jax.ops.segment_sum(msgs, dst, num_segments=N) + b
    return jax.nn.relu(out)

if __name__ == "__main__":
    import jax
    _d = setup_inputs()
    print(jax.jit(kernel)(*tuple(_d.values())))

</pallas_src>

<mosaic_0001>
#map = affine_map<(d0, d1) -> (0, 0, 0)>
#map1 = affine_map<(d0, d1) -> (0)>
module attributes {stable_mosaic.version = 14 : i64} {
  func.func @_deg_body(%arg0: i32, %arg1: i32, %arg2: memref<2x2560x125xi32, #tpu.memory_space<hbm>>, %arg3: memref<10240xf32, #tpu.memory_space<hbm>>, %arg4: memref<10240xf32, #tpu.memory_space<hbm>>, %arg5: memref<10240xf32, #tpu.memory_space<hbm>>, %arg6: memref<80x125xi32, #tpu.memory_space<vmem>>, %arg7: memref<128xf32, #tpu.memory_space<vmem>>, %arg8: memref<10240xf32, #tpu.memory_space<vmem_shared>>) attributes {dimension_semantics = [#tpu.dimension_semantics<core_parallel>, #tpu.dimension_semantics<subcore_parallel>], iteration_bounds = array<i64: 2, 16>, scalar_prefetch = 0 : i64, scratch_operands = 3 : i64, tpu.core_type = #tpu.core_type<sc_vector_subcore>, window_params = [{transform_indices = #map}, {transform_indices = #map1}, {transform_indices = #map1}, {transform_indices = #map1}]} {
    %mul3A = arith.constant 16 : i32
    %mul3A_0 = arith.muli %arg0, %mul3A : i32
    %add3A = arith.addi %mul3A_0, %arg1 : i32
    %broadcast_in_dim3A = arith.constant 1.000000e+00 : f32
    %broadcast_in_dim3A_1 = vector.broadcast %broadcast_in_dim3A : f32 to vector<16xf32>
    %swap3A = arith.constant 0 : index
    %swap3A_2 = tpu.vector_load %arg7[%swap3A] {strides = array<i32>} : memref<128xf32, #tpu.memory_space<vmem>>, vector<16xf32>,
    %swap3A_3 = vector.shape_cast %swap3A_2 : vector<16xf32> to vector<16xf32>
    %swap3A_4 = vector.shape_cast %broadcast_in_dim3A_1 : vector<16xf32> to vector<16xf32>
    tpu.vector_store %arg7[%swap3A], %swap3A_4 {strides = array<i32>} : memref<128xf32, #tpu.memory_space<vmem>>, vector<16xf32>,
    %broadcast_in_dim3A_5 = arith.constant 1.000000e+00 : f32
    %broadcast_in_dim3A_6 = vector.broadcast %broadcast_in_dim3A_5 : f32 to vector<16xf32>
    %swap3A_7 = arith.constant 16 : index
    %swap3A_8 = tpu.vector_load %arg7[%swap3A_7] {strides = array<i32>} : memref<128xf32, #tpu.memory_space<vmem>>, vector<16xf32>,
    %swap3A_9 = vector.shape_cast %swap3A_8 : vector<16xf32> to vector<16xf32>
    %swap3A_10 = vector.shape_cast %broadcast_in_dim3A_6 : vector<16xf32> to vector<16xf32>
    tpu.vector_store %arg7[%swap3A_7], %swap3A_10 {strides = array<i32>} : memref<128xf32, #tpu.memory_space<vmem>>, vector<16xf32>,
    %broadcast_in_dim3A_11 = arith.constant 1.000000e+00 : f32
    %broadcast_in_dim3A_12 = vector.broadcast %broadcast_in_dim3A_11 : f32 to vector<16xf32>
    %swap3A_13 = arith.constant 32 : index
    %swap3A_14 = tpu.vector_load %arg7[%swap3A_13] {strides = array<i32>} : memref<128xf32, #tpu.memory_space<vmem>>, vector<16xf32>,
    %swap3A_15 = vector.shape_cast %swap3A_14 : vector<16xf32> to vector<16xf32>
    %swap3A_16 = vector.shape_cast %broadcast_in_dim3A_12 : vector<16xf32> to vector<16xf32>
    tpu.vector_store %arg7[%swap3A_13], %swap3A_16 {strides = array<i32>} : memref<128xf32, #tpu.memory_space<vmem>>, vector<16xf32>,
    %broadcast_in_dim3A_17 = arith.constant 1.000000e+00 : f32
    %broadcast_in_dim3A_18 = vector.broadcast %broadcast_in_dim3A_17 : f32 to vector<16xf32>
    %swap3A_19 = arith.constant 48 : index
    %swap3A_20 = tpu.vector_load %arg7[%swap3A_19] {strides = array<i32>} : memref<128xf32, #tpu.memory_space<vmem>>, vector<16xf32>,
    %swap3A_21 = vector.shape_cast %swap3A_20 : vector<16xf32> to vector<16xf32>
    %swap3A_22 = vector.shape_cast %broadcast_in_dim3A_18 : vector<16xf32> to vector<16xf32>
    tpu.vector_store %arg7[%swap3A_19], %swap3A_22 {strides = array<i32>} : memref<128xf32, #tpu.memory_space<vmem>>, vector<16xf32>,
    %broadcast_in_dim3A_23 = arith.constant 1.000000e+00 : f32
    %broadcast_in_dim3A_24 = vector.broadcast %broadcast_in_dim3A_23 : f32 to vector<16xf32>
    %swap3A_25 = arith.constant 64 : index
    %swap3A_26 = tpu.vector_load %arg7[%swap3A_25] {strides = array<i32>} : memref<128xf32, #tpu.memory_space<vmem>>, vector<16xf32>,
    %swap3A_27 = vector.shape_cast %swap3A_26 : vector<16xf32> to vector<16xf32>
    %swap3A_28 = vector.shape_cast %broadcast_in_dim3A_24 : vector<16xf32> to vector<16xf32>
    tpu.vector_store %arg7[%swap3A_25], %swap3A_28 {strides = array<i32>} : memref<128xf32, #tpu.memory_space<vmem>>, vector<16xf32>,
    %broadcast_in_dim3A_29 = arith.constant 1.000000e+00 : f32
    %broadcast_in_dim3A_30 = vector.broadcast %broadcast_in_dim3A_29 : f32 to vector<16xf32>
    %swap3A_31 = arith.constant 80 : index
    %swap3A_32 = tpu.vector_load %arg7[%swap3A_31] {strides = array<i32>} : memref<128xf32, #tpu.memory_space<vmem>>, vector<16xf32>,
    %swap3A_33 = vector.shape_cast %swap3A_32 : vector<16xf32> to vector<16xf32>
    %swap3A_34 = vector.shape_cast %broadcast_in_dim3A_30 : vector<16xf32> to vector<16xf32>
    tpu.vector_store %arg7[%swap3A_31], %swap3A_34 {strides = array<i32>} : memref<128xf32, #tpu.memory_space<vmem>>, vector<16xf32>,
    %broadcast_in_dim3A_35 = arith.constant 1.000000e+00 : f32
    %broadcast_in_dim3A_36 = vector.broadcast %broadcast_in_dim3A_35 : f32 to vector<16xf32>
    %swap3A_37 = arith.constant 96 : index
    %swap3A_38 = tpu.vector_load %arg7[%swap3A_37] {strides = array<i32>} : memref<128xf32, #tpu.memory_space<vmem>>, vector<16xf32>,
    %swap3A_39 = vector.shape_cast %swap3A_38 : vector<16xf32> to vector<16xf32>
    %swap3A_40 = vector.shape_cast %broadcast_in_dim3A_36 : vector<16xf32> to vector<16xf32>
    tpu.vector_store %arg7[%swap3A_37], %swap3A_40 {strides = array<i32>} : memref<128xf32, #tpu.memory_space<vmem>>, vector<16xf32>,
    %broadcast_in_dim3A_41 = arith.constant 1.000000e+00 : f32
    %broadcast_in_dim3A_42 = vector.broadcast %broadcast_in_dim3A_41 : f32 to vector<16xf32>
    %swap3A_43 = arith.constant 112 : index
    %swap3A_44 = tpu.vector_load %arg7[%swap3A_43] {strides = array<i32>} : memref<128xf32, #tpu.memory_space<vmem>>, vector<16xf32>,
    %swap3A_45 = vector.shape_cast %swap3A_44 : vector<16xf32> to vector<16xf32>
    %swap3A_46 = vector.shape_cast %broadcast_in_dim3A_42 : vector<16xf32> to vector<16xf32>
    tpu.vector_store %arg7[%swap3A_43], %swap3A_46 {strides = array<i32>} : memref<128xf32, #tpu.memory_space<vmem>>, vector<16xf32>,
    %eq3A = arith.constant 0 : i32
    %eq3A_47 = arith.cmpi eq, %arg1, %eq3A : i32
    %convert_element_type3A = arith.extui %eq3A_47 : i1 to i32
    %cond3A = arith.constant 0 : i32
    %cond3A_48 = arith.cmpi ne, %convert_element_type3A, %cond3A : i32
    scf.if %cond3A_48 {
      "tpu.region"() ({
        %run_scoped3A_72 = tpu.sem_alloc : memref<!tpu.dma_semaphore, #tpu.memory_space<semaphore_mem>>
        tpu.enqueue_dma source(%arg3 : memref<10240xf32, #tpu.memory_space<hbm>>) target(%arg8 : memref<10240xf32, #tpu.memory_space<vmem_shared>>) target_semaphore(%run_scoped3A_72 : memref<!tpu.dma_semaphore, #tpu.memory_space<semaphore_mem>>)
        tpu.wait_dma2 semaphore(%run_scoped3A_72 : memref<!tpu.dma_semaphore, #tpu.memory_space<semaphore_mem>>) src(%arg3 : memref<10240xf32, #tpu.memory_space<hbm>>) dst(%arg8 : memref<10240xf32, #tpu.memory_space<vmem_shared>>)
        tpu.yield
      }) : () -> ()
    } else {
    }
    %barrier3A = arith.constant 0 : index
    tpu.barrier barrier_id(%barrier3A)
    %mul3A_49 = arith.constant 80 : i32
    %mul3A_50 = arith.muli %add3A, %mul3A_49 : i32
    %run_scoped3A = arith.constant 1 : i32
    "tpu.region"() ({
      %run_scoped3A_72 = tpu.sem_alloc : memref<!tpu.dma_semaphore, #tpu.memory_space<semaphore_mem>>
      %dma_start3A = arith.constant 0 : i32
      %dma_start3A_73 = tpu.memref_slice %arg2[%run_scoped3A, %mul3A_50, %dma_start3A] : memref<2x2560x125xi32, #tpu.memory_space<hbm>> -> memref<1x80x125xi32, #tpu.memory_space<hbm>>
      %dma_start3A_74 = tpu.memref_squeeze %dma_start3A_73 : memref<1x80x125xi32, #tpu.memory_space<hbm>> -> memref<80x125xi32, #tpu.memory_space<hbm>>
      %dma_start3A_75 = arith.constant 0 : i32
      %dma_start3A_76 = tpu.memref_slice %arg2[%run_scoped3A, %mul3A_50, %dma_start3A_75] : memref<2x2560x125xi32, #tpu.memory_space<hbm>> -> memref<1x80x125xi32, #tpu.memory_space<hbm>>
      %dma_start3A_77 = tpu.memref_squeeze %dma_start3A_76 : memref<1x80x125xi32, #tpu.memory_space<hbm>> -> memref<80x125xi32, #tpu.memory_space<hbm>>
      tpu.enqueue_dma source(%dma_start3A_77 : memref<80x125xi32, #tpu.memory_space<hbm>>) target(%arg6 : memref<80x125xi32, #tpu.memory_space<vmem>>) target_semaphore(%run_scoped3A_72 : memref<!tpu.dma_semaphore, #tpu.memory_space<semaphore_mem>>)
      %dma_wait3A = arith.constant 0 : i32
      %dma_wait3A_78 = tpu.memref_slice %arg2[%run_scoped3A, %mul3A_50, %dma_wait3A] : memref<2x2560x125xi32, #tpu.memory_space<hbm>> -> memref<1x80x125xi32, #tpu.memory_space<hbm>>
      %dma_wait3A_79 = tpu.memref_squeeze %dma_wait3A_78 : memref<1x80x125xi32, #tpu.memory_space<hbm>> -> memref<80x125xi32, #tpu.memory_space<hbm>>
      %dma_wait3A_80 = arith.constant 0 : i32
      %dma_wait3A_81 = tpu.memref_slice %arg2[%run_scoped3A, %mul3A_50, %dma_wait3A_80] : memref<2x2560x125xi32, #tpu.memory_space<hbm>> -> memref<1x80x125xi32, #tpu.memory_space<hbm>>
      %dma_wait3A_82 = tpu.memref_squeeze %dma_wait3A_81 : memref<1x80x125xi32, #tpu.memory_space<hbm>> -> memref<80x125xi32, #tpu.memory_space<hbm>>
      tpu.wait_dma2 semaphore(%run_scoped3A_72 : memref<!tpu.dma_semaphore, #tpu.memory_space<semaphore_mem>>) src(%dma_wait3A_82 : memref<80x125xi32, #tpu.memory_space<hbm>>) dst(%arg6 : memref<80x125xi32, #tpu.memory_space<vmem>>)
      tpu.yield
    }) : () -> ()
    %scan3A = arith.constant 0 : i32
    %scan3A_51 = arith.constant 0 : i32
    %scan3A_52 = arith.constant 80 : i32
    %scan3A_53 = arith.addi %scan3A_51, %scan3A_52 : i32
    %scan3A_54 = arith.constant 1 : i32
    scf.for %scan3A_72 = %scan3A_51 to %scan3A_53 step %scan3A_54  : i32 {
      "tpu.region"() ({
        %run_scoped3A_73 = tpu.sem_alloc : memref<!tpu.dma_semaphore, #tpu.memory_space<semaphore_mem>>
        %dma_start3A = arith.constant 0 : i32
        %dma_start3A_74 = tpu.memref_slice %arg7[%dma_start3A] : memref<128xf32, #tpu.memory_space<vmem>> -> memref<125xf32, #tpu.memory_space<vmem>>
        %dma_start3A_75 = arith.constant 0 : i32
        %dma_start3A_76 = tpu.memref_slice %arg6[%scan3A_72, %dma_start3A_75] : memref<80x125xi32, #tpu.memory_space<vmem>> -> memref<1x125xi32, #tpu.memory_space<vmem>>
        %dma_start3A_77 = tpu.memref_squeeze %dma_start3A_76 : memref<1x125xi32, #tpu.memory_space<vmem>> -> memref<125xi32, #tpu.memory_space<vmem>>
        %dma_start3A_78 = arith.constant 0 : i32
        %dma_start3A_79 = tpu.memref_slice %arg8[%dma_start3A_78] : memref<10240xf32, #tpu.memory_space<vmem_shared>> -> memref<10240xf32, #tpu.memory_space<vmem_shared>>
        tpu.enqueue_indirect_dma source(%dma_start3A_74 : memref<125xf32, #tpu.memory_space<vmem>>) target(%dma_start3A_79 : memref<10240xf32, #tpu.memory_space<vmem_shared>>) offsets(%dma_start3A_77 : memref<125xi32, #tpu.memory_space<vmem>>) semaphore(%run_scoped3A_73 : memref<!tpu.dma_semaphore, #tpu.memory_space<semaphore_mem>>) {add = true}
        %dma_wait3A = arith.constant 0 : i32
        %dma_wait3A_80 = tpu.memref_slice %arg7[%dma_wait3A] : memref<128xf32, #tpu.memory_space<vmem>> -> memref<125xf32, #tpu.memory_space<vmem>>
        %dma_wait3A_81 = arith.constant 0 : i32
        %dma_wait3A_82 = tpu.memref_slice %arg6[%scan3A_72, %dma_wait3A_81] : memref<80x125xi32, #tpu.memory_space<vmem>> -> memref<1x125xi32, #tpu.memory_space<vmem>>
        %dma_wait3A_83 = tpu.memref_squeeze %dma_wait3A_82 : memref<1x125xi32, #tpu.memory_space<vmem>> -> memref<125xi32, #tpu.memory_space<vmem>>
        %dma_wait3A_84 = arith.constant 0 : i32
        %dma_wait3A_85 = tpu.memref_slice %arg8[%dma_wait3A_84] : memref<10240xf32, #tpu.memory_space<vmem_shared>> -> memref<10240xf32, #tpu.memory_space<vmem_shared>>
        tpu.wait_indirect_dma semaphore(%run_scoped3A_73 : memref<!tpu.dma_semaphore, #tpu.memory_space<semaphore_mem>>) src(%dma_wait3A_80 : memref<125xf32, #tpu.memory_space<vmem>>) dst(%dma_wait3A_85 : memref<10240xf32, #tpu.memory_space<vmem_shared>>)
        tpu.yield
      }) : () -> ()
    }
    %scan3A_55 = arith.constant 80 : i32
    %barrier3A_56 = arith.constant 0 : index
    tpu.barrier barrier_id(%barrier3A_56)
    %eq3A_57 = arith.constant 0 : i32
    %eq3A_58 = arith.cmpi eq, %arg1, %eq3A_57 : i32
    %eq3A_59 = arith.constant 0 : i32
    %eq3A_60 = arith.cmpi eq, %arg0, %eq3A_59 : i32
    %and3A = arith.andi %eq3A_58, %eq3A_60 : i1
    %convert_element_type3A_61 = arith.extui %and3A : i1 to i32
    %cond3A_62 = arith.constant 0 : i32
    %cond3A_63 = arith.cmpi ne, %convert_element_type3A_61, %cond3A_62 : i32
    scf.if %cond3A_63 {
      "tpu.region"() ({
        %run_scoped3A_72 = tpu.sem_alloc : memref<!tpu.dma_semaphore, #tpu.memory_space<semaphore_mem>>
        tpu.enqueue_dma source(%arg8 : memref<10240xf32, #tpu.memory_space<vmem_shared>>) target(%arg4 : memref<10240xf32, #tpu.memory_space<hbm>>) target_semaphore(%run_scoped3A_72 : memref<!tpu.dma_semaphore, #tpu.memory_space<semaphore_mem>>)
        tpu.wait_dma2 semaphore(%run_scoped3A_72 : memref<!tpu.dma_semaphore, #tpu.memory_space<semaphore_mem>>) src(%arg8 : memref<10240xf32, #tpu.memory_space<vmem_shared>>) dst(%arg4 : memref<10240xf32, #tpu.memory_space<hbm>>)
        tpu.yield
      }) : () -> ()
    } else {
    }
    %eq3A_64 = arith.constant 0 : i32
    %eq3A_65 = arith.cmpi eq, %arg1, %eq3A_64 : i32
    %eq3A_66 = arith.constant 1 : i32
    %eq3A_67 = arith.cmpi eq, %arg0, %eq3A_66 : i32
    %and3A_68 = arith.andi %eq3A_65, %eq3A_67 : i1
    %convert_element_type3A_69 = arith.extui %and3A_68 : i1 to i32
    %cond3A_70 = arith.constant 0 : i32
    %cond3A_71 = arith.cmpi ne, %convert_element_type3A_69, %cond3A_70 : i32
    scf.if %cond3A_71 {
      "tpu.region"() ({
        %run_scoped3A_72 = tpu.sem_alloc : memref<!tpu.dma_semaphore, #tpu.memory_space<semaphore_mem>>
        tpu.enqueue_dma source(%arg8 : memref<10240xf32, #tpu.memory_space<vmem_shared>>) target(%arg5 : memref<10240xf32, #tpu.memory_space<hbm>>) target_semaphore(%run_scoped3A_72 : memref<!tpu.dma_semaphore, #tpu.memory_space<semaphore_mem>>)
        tpu.wait_dma2 semaphore(%run_scoped3A_72 : memref<!tpu.dma_semaphore, #tpu.memory_space<semaphore_mem>>) src(%arg8 : memref<10240xf32, #tpu.memory_space<vmem_shared>>) dst(%arg5 : memref<10240xf32, #tpu.memory_space<hbm>>)
        tpu.yield
      }) : () -> ()
    } else {
    }
    return
  }
}

#map = affine_map<(d0, d1) -> (0, 0)>
#map1 = affine_map<(d0, d1) -> (0, 0, 0)>
module attributes {stable_mosaic.version = 14 : i64} {
  func.func @_agg_body(%arg0: i32, %arg1: i32, %arg2: memref<10240x128xf32, #tpu.memory_space<hbm>>, %arg3: memref<2x2560x125xi32, #tpu.memory_space<hbm>>, %arg4: memref<10240x128xf32, #tpu.memory_space<hbm>>, %arg5: memref<2x10240x128xf32, #tpu.memory_space<hbm>>, %arg6: memref<8x125xi32, #tpu.memory_space<vmem>>, %arg7: memref<8x125xi32, #tpu.memory_space<vmem>>, %arg8: memref<8x125xi32, #tpu.memory_space<vmem>>, %arg9: memref<8x125xi32, #tpu.memory_space<vmem>>, %arg10: memref<125x128xf32, #tpu.memory_space<vmem>>, %arg11: memref<125x128xf32, #tpu.memory_space<vmem>>, %arg12: memref<10240x128xf32, #tpu.memory_space<vmem_shared>>, %arg13: memref<!tpu.dma_semaphore, #tpu.memory_space<semaphore_mem>>, %arg14: memref<!tpu.dma_semaphore, #tpu.memory_space<semaphore_mem>>, %arg15: memref<!tpu.dma_semaphore, #tpu.memory_space<semaphore_mem>>, %arg16: memref<!tpu.dma_semaphore, #tpu.memory_space<semaphore_mem>>) attributes {dimension_semantics = [#tpu.dimension_semantics<core_parallel>, #tpu.dimension_semantics<subcore_parallel>], iteration_bounds = array<i64: 2, 16>, scalar_prefetch = 0 : i64, scratch_operands = 11 : i64, tpu.core_type = #tpu.core_type<sc_vector_subcore>, window_params = [{transform_indices = #map}, {transform_indices = #map1}, {transform_indices = #map}, {transform_indices = #map1}]} {
    %mul3A = arith.constant 16 : i32
    %mul3A_0 = arith.muli %arg0, %mul3A : i32
    %add3A = arith.addi %mul3A_0, %arg1 : i32
    %mul3A_1 = arith.constant 80 : i32
    %mul3A_2 = arith.muli %add3A, %mul3A_1 : i32
    %eq3A = arith.constant 0 : i32
    %eq3A_3 = arith.cmpi eq, %arg0, %eq3A : i32
    %convert_element_type3A = arith.extui %eq3A_3 : i1 to i32
    %cond3A = arith.constant 0 : i32
    %cond3A_4 = arith.cmpi ne, %convert_element_type3A, %cond3A : i32
    scf.if %cond3A_4 {
      %mul3A_21 = arith.constant 640 : i32
      %mul3A_22 = arith.muli %arg1, %mul3A_21 : i32
      %mul3A_23 = arith.constant 640 : i32
      %mul3A_24 = arith.muli %arg1, %mul3A_23 : i32
      "tpu.region"() ({
        %run_scoped3A_25 = tpu.sem_alloc : memref<!tpu.dma_semaphore, #tpu.memory_space<semaphore_mem>>
        %dma_start3A = arith.constant 0 : i32
        %dma_start3A_26 = tpu.memref_slice %arg12[%mul3A_24, %dma_start3A] : memref<10240x128xf32, #tpu.memory_space<vmem_shared>> -> memref<640x128xf32, #tpu.memory_space<vmem_shared>>
        %dma_start3A_27 = arith.constant 0 : i32
        %dma_start3A_28 = tpu.memref_slice %arg2[%mul3A_22, %dma_start3A_27] : memref<10240x128xf32, #tpu.memory_space<hbm>> -> memref<640x128xf32, #tpu.memory_space<hbm>>
        tpu.enqueue_dma source(%dma_start3A_28 : memref<640x128xf32, #tpu.memory_space<hbm>>) target(%dma_start3A_26 : memref<640x128xf32, #tpu.memory_space<vmem_shared>>) target_semaphore(%run_scoped3A_25 : memref<!tpu.dma_semaphore, #tpu.memory_space<semaphore_mem>>)
        %dma_wait3A = arith.constant 0 : i32
        %dma_wait3A_29 = tpu.memref_slice %arg12[%mul3A_24, %dma_wait3A] : memref<10240x128xf32, #tpu.memory_space<vmem_shared>> -> memref<640x128xf32, #tpu.memory_space<vmem_shared>>
        %dma_wait3A_30 = arith.constant 0 : i32
        %dma_wait3A_31 = tpu.memref_slice %arg2[%mul3A_22, %dma_wait3A_30] : memref<10240x128xf32, #tpu.memory_space<hbm>> -> memref<640x128xf32, #tpu.memory_space<hbm>>
        tpu.wait_dma2 semaphore(%run_scoped3A_25 : memref<!tpu.dma_semaphore, #tpu.memory_space<semaphore_mem>>) src(%dma_wait3A_31 : memref<640x128xf32, #tpu.memory_space<hbm>>) dst(%dma_wait3A_29 : memref<640x128xf32, #tpu.memory_space<vmem_shared>>)
        tpu.yield
      }) : () -> ()
    } else {
    }
    %eq3A_5 = arith.constant 1 : i32
    %eq3A_6 = arith.cmpi eq, %arg0, %eq3A_5 : i32
    %convert_element_type3A_7 = arith.extui %eq3A_6 : i1 to i32
    %cond3A_8 = arith.constant 0 : i32
    %cond3A_9 = arith.cmpi ne, %convert_element_type3A_7, %cond3A_8 : i32
    scf.if %cond3A_9 {
      %mul3A_21 = arith.constant 640 : i32
      %mul3A_22 = arith.muli %arg1, %mul3A_21 : i32
      %mul3A_23 = arith.constant 640 : i32
      %mul3A_24 = arith.muli %arg1, %mul3A_23 : i32
      "tpu.region"() ({
        %run_scoped3A_25 = tpu.sem_alloc : memref<!tpu.dma_semaphore, #tpu.memory_space<semaphore_mem>>
        %dma_start3A = arith.constant 0 : i32
        %dma_start3A_26 = tpu.memref_slice %arg12[%mul3A_24, %dma_start3A] : memref<10240x128xf32, #tpu.memory_space<vmem_shared>> -> memref<640x128xf32, #tpu.memory_space<vmem_shared>>
        %dma_start3A_27 = arith.constant 0 : i32
        %dma_start3A_28 = tpu.memref_slice %arg4[%mul3A_22, %dma_start3A_27] : memref<10240x128xf32, #tpu.memory_space<hbm>> -> memref<640x128xf32, #tpu.memory_space<hbm>>
        tpu.enqueue_dma source(%dma_start3A_28 : memref<640x128xf32, #tpu.memory_space<hbm>>) target(%dma_start3A_26 : memref<640x128xf32, #tpu.memory_space<vmem_shared>>) target_semaphore(%run_scoped3A_25 : memref<!tpu.dma_semaphore, #tpu.memory_space<semaphore_mem>>)
        %dma_wait3A = arith.constant 0 : i32
        %dma_wait3A_29 = tpu.memref_slice %arg12[%mul3A_24, %dma_wait3A] : memref<10240x128xf32, #tpu.memory_space<vmem_shared>> -> memref<640x128xf32, #tpu.memory_space<vmem_shared>>
        %dma_wait3A_30 = arith.constant 0 : i32
        %dma_wait3A_31 = tpu.memref_slice %arg4[%mul3A_22, %dma_wait3A_30] : memref<10240x128xf32, #tpu.memory_space<hbm>> -> memref<640x128xf32, #tpu.memory_space<hbm>>
        tpu.wait_dma2 semaphore(%run_scoped3A_25 : memref<!tpu.dma_semaphore, #tpu.memory_space<semaphore_mem>>) src(%dma_wait3A_31 : memref<640x128xf32, #tpu.memory_space<hbm>>) dst(%dma_wait3A_29 : memref<640x128xf32, #tpu.memory_space<vmem_shared>>)
        tpu.yield
      }) : () -> ()
    } else {
    }
    %run_scoped3A = arith.constant 0 : i32
    "tpu.region"() ({
      %run_scoped3A_21 = tpu.sem_alloc : memref<!tpu.dma_semaphore, #tpu.memory_space<semaphore_mem>>
      %dma_start3A = arith.constant 0 : i32
      %dma_start3A_22 = tpu.memref_slice %arg3[%run_scoped3A, %mul3A_2, %dma_start3A] : memref<2x2560x125xi32, #tpu.memory_space<hbm>> -> memref<1x8x125xi32, #tpu.memory_space<hbm>>
      %dma_start3A_23 = tpu.memref_squeeze %dma_start3A_22 : memref<1x8x125xi32, #tpu.memory_space<hbm>> -> memref<8x125xi32, #tpu.memory_space<hbm>>
      %dma_start3A_24 = arith.constant 0 : i32
      %dma_start3A_25 = tpu.memref_slice %arg3[%run_scoped3A, %mul3A_2, %dma_start3A_24] : memref<2x2560x125xi32, #tpu.memory_space<hbm>> -> memref<1x8x125xi32, #tpu.memory_space<hbm>>
      %dma_start3A_26 = tpu.memref_squeeze %dma_start3A_25 : memref<1x8x125xi32, #tpu.memory_space<hbm>> -> memref<8x125xi32, #tpu.memory_space<hbm>>
      tpu.enqueue_dma source(%dma_start3A_26 : memref<8x125xi32, #tpu.memory_space<hbm>>) target(%arg6 : memref<8x125xi32, #tpu.memory_space<vmem>>) target_semaphore(%run_scoped3A_21 : memref<!tpu.dma_semaphore, #tpu.memory_space<semaphore_mem>>)
      %dma_wait3A = arith.constant 0 : i32
      %dma_wait3A_27 = tpu.memref_slice %arg3[%run_scoped3A, %mul3A_2, %dma_wait3A] : memref<2x2560x125xi32, #tpu.memory_space<hbm>> -> memref<1x8x125xi32, #tpu.memory_space<hbm>>
      %dma_wait3A_28 = tpu.memref_squeeze %dma_wait3A_27 : memref<1x8x125xi32, #tpu.memory_space<hbm>> -> memref<8x125xi32, #tpu.memory_space<hbm>>
      %dma_wait3A_29 = arith.constant 0 : i32
      %dma_wait3A_30 = tpu.memref_slice %arg3[%run_scoped3A, %mul3A_2, %dma_wait3A_29] : memref<2x2560x125xi32, #tpu.memory_space<hbm>> -> memref<1x8x125xi32, #tpu.memory_space<hbm>>
      %dma_wait3A_31 = tpu.memref_squeeze %dma_wait3A_30 : memref<1x8x125xi32, #tpu.memory_space<hbm>> -> memref<8x125xi32, #tpu.memory_space<hbm>>
      tpu.wait_dma2 semaphore(%run_scoped3A_21 : memref<!tpu.dma_semaphore, #tpu.memory_space<semaphore_mem>>) src(%dma_wait3A_31 : memref<8x125xi32, #tpu.memory_space<hbm>>) dst(%arg6 : memref<8x125xi32, #tpu.memory_space<vmem>>)
      tpu.yield
    }) : () -> ()
    %run_scoped3A_10 = arith.constant 1 : i32
    "tpu.region"() ({
      %run_scoped3A_21 = tpu.sem_alloc : memref<!tpu.dma_semaphore, #tpu.memory_space<semaphore_mem>>
      %dma_start3A = arith.constant 0 : i32
      %dma_start3A_22 = tpu.memref_slice %arg3[%run_scoped3A_10, %mul3A_2, %dma_start3A] : memref<2x2560x125xi32, #tpu.memory_space<hbm>> -> memref<1x8x125xi32, #tpu.memory_space<hbm>>
      %dma_start3A_23 = tpu.memref_squeeze %dma_start3A_22 : memref<1x8x125xi32, #tpu.memory_space<hbm>> -> memref<8x125xi32, #tpu.memory_space<hbm>>
      %dma_start3A_24 = arith.constant 0 : i32
      %dma_start3A_25 = tpu.memref_slice %arg3[%run_scoped3A_10, %mul3A_2, %dma_start3A_24] : memref<2x2560x125xi32, #tpu.memory_space<hbm>> -> memref<1x8x125xi32, #tpu.memory_space<hbm>>
      %dma_start3A_26 = tpu.memref_squeeze %dma_start3A_25 : memref<1x8x125xi32, #tpu.memory_space<hbm>> -> memref<8x125xi32, #tpu.memory_space<hbm>>
      tpu.enqueue_dma source(%dma_start3A_26 : memref<8x125xi32, #tpu.memory_space<hbm>>) target(%arg7 : memref<8x125xi32, #tpu.memory_space<vmem>>) target_semaphore(%run_scoped3A_21 : memref<!tpu.dma_semaphore, #tpu.memory_space<semaphore_mem>>)
      %dma_wait3A = arith.constant 0 : i32
      %dma_wait3A_27 = tpu.memref_slice %arg3[%run_scoped3A_10, %mul3A_2, %dma_wait3A] : memref<2x2560x125xi32, #tpu.memory_space<hbm>> -> memref<1x8x125xi32, #tpu.memory_space<hbm>>
      %dma_wait3A_28 = tpu.memref_squeeze %dma_wait3A_27 : memref<1x8x125xi32, #tpu.memory_space<hbm>> -> memref<8x125xi32, #tpu.memory_space<hbm>>
      %dma_wait3A_29 = arith.constant 0 : i32
      %dma_wait3A_30 = tpu.memref_slice %arg3[%run_scoped3A_10, %mul3A_2, %dma_wait3A_29] : memref<2x2560x125xi32, #tpu.memory_space<hbm>> -> memref<1x8x125xi32, #tpu.memory_space<hbm>>
      %dma_wait3A_31 = tpu.memref_squeeze %dma_wait3A_30 : memref<1x8x125xi32, #tpu.memory_space<hbm>> -> memref<8x125xi32, #tpu.memory_space<hbm>>
      tpu.wait_dma2 semaphore(%run_scoped3A_21 : memref<!tpu.dma_semaphore, #tpu.memory_space<semaphore_mem>>) src(%dma_wait3A_31 : memref<8x125xi32, #tpu.memory_space<hbm>>) dst(%arg7 : memref<8x125xi32, #tpu.memory_space<vmem>>)
      tpu.yield
    }) : () -> ()
    %barrier3A = arith.constant 0 : index
    tpu.barrier barrier_id(%barrier3A)
    %scan3A = arith.constant 0 : i32
    %scan3A_11 = arith.constant 0 : i32
    %scan3A_12 = arith.constant 5 : i32
    %scan3A_13 = arith.addi %scan3A_11, %scan3A_12 : i32
    %scan3A_14 = arith.constant 1 : i32
    scf.for %scan3A_21 = %scan3A_11 to %scan3A_13 step %scan3A_14  : i32 {
      %mul3A_22 = arith.constant 2 : i32
      %mul3A_23 = arith.muli %mul3A_22, %scan3A_21 : i32
      %mul3A_24 = arith.constant 8 : i32
      %mul3A_25 = arith.muli %mul3A_23, %mul3A_24 : i32
      %add3A_26 = arith.addi %mul3A_2, %mul3A_25 : i32
      %add3A_27 = arith.constant 8 : i32
      %add3A_28 = arith.addi %add3A_26, %add3A_27 : i32
      %dma_start3A = arith.constant 0 : i32
      %dma_start3A_29 = arith.constant 0 : i32
      %dma_start3A_30 = tpu.memref_slice %arg3[%dma_start3A, %add3A_28, %dma_start3A_29] : memref<2x2560x125xi32, #tpu.memory_space<hbm>> -> memref<1x8x125xi32, #tpu.memory_space<hbm>>
      %dma_start3A_31 = tpu.memref_squeeze %dma_start3A_30 : memref<1x8x125xi32, #tpu.memory_space<hbm>> -> memref<8x125xi32, #tpu.memory_space<hbm>>
      %dma_start3A_32 = arith.constant 0 : i32
      %dma_start3A_33 = tpu.memref_slice %arg3[%dma_start3A, %add3A_28, %dma_start3A_32] : memref<2x2560x125xi32, #tpu.memory_space<hbm>> -> memref<1x8x125xi32, #tpu.memory_space<hbm>>
      %dma_start3A_34 = tpu.memref_squeeze %dma_start3A_33 : memref<1x8x125xi32, #tpu.memory_space<hbm>> -> memref<8x125xi32, #tpu.memory_space<hbm>>
      tpu.enqueue_dma source(%dma_start3A_34 : memref<8x125xi32, #tpu.memory_space<hbm>>) target(%arg8 : memref<8x125xi32, #tpu.memory_space<vmem>>) target_semaphore(%arg15 : memref<!tpu.dma_semaphore, #tpu.memory_space<semaphore_mem>>)
      %add3A_35 = arith.constant 8 : i32
      %add3A_36 = arith.addi %add3A_26, %add3A_35 : i32
      %dma_start3A_37 = arith.constant 1 : i32
      %dma_start3A_38 = arith.constant 0 : i32
      %dma_start3A_39 = tpu.memref_slice %arg3[%dma_start3A_37, %add3A_36, %dma_start3A_38] : memref<2x2560x125xi32, #tpu.memory_space<hbm>> -> memref<1x8x125xi32, #tpu.memory_space<hbm>>
      %dma_start3A_40 = tpu.memref_squeeze %dma_start3A_39 : memref<1x8x125xi32, #tpu.memory_space<hbm>> -> memref<8x125xi32, #tpu.memory_space<hbm>>
      %dma_start3A_41 = arith.constant 0 : i32
      %dma_start3A_42 = tpu.memref_slice %arg3[%dma_start3A_37, %add3A_36, %dma_start3A_41] : memref<2x2560x125xi32, #tpu.memory_space<hbm>> -> memref<1x8x125xi32, #tpu.memory_space<hbm>>
      %dma_start3A_43 = tpu.memref_squeeze %dma_start3A_42 : memref<1x8x125xi32, #tpu.memory_space<hbm>> -> memref<8x125xi32, #tpu.memory_space<hbm>>
      tpu.enqueue_dma source(%dma_start3A_43 : memref<8x125xi32, #tpu.memory_space<hbm>>) target(%arg9 : memref<8x125xi32, #tpu.memory_space<vmem>>) target_semaphore(%arg16 : memref<!tpu.dma_semaphore, #tpu.memory_space<semaphore_mem>>)
      %dma_start3A_44 = arith.constant 0 : i32
      %dma_start3A_45 = arith.constant 0 : i32
      %dma_start3A_46 = tpu.memref_slice %arg6[%dma_start3A_44, %dma_start3A_45] : memref<8x125xi32, #tpu.memory_space<vmem>> -> memref<1x125xi32, #tpu.memory_space<vmem>>
      %dma_start3A_47 = tpu.memref_squeeze %dma_start3A_46 : memref<1x125xi32, #tpu.memory_space<vmem>> -> memref<125xi32, #tpu.memory_space<vmem>>
      %dma_start3A_48 = arith.constant 0 : i32
      %dma_start3A_49 = arith.constant 0 : i32
      %dma_start3A_50 = tpu.memref_slice %arg2[%dma_start3A_48, %dma_start3A_49] : memref<10240x128xf32, #tpu.memory_space<hbm>> -> memref<10240x128xf32, #tpu.memory_space<hbm>>
      tpu.enqueue_indirect_dma source(%dma_start3A_50 : memref<10240x128xf32, #tpu.memory_space<hbm>>) target(%arg10 : memref<125x128xf32, #tpu.memory_space<vmem>>) offsets(%dma_start3A_47 : memref<125xi32, #tpu.memory_space<vmem>>) semaphore(%arg13 : memref<!tpu.dma_semaphore, #tpu.memory_space<semaphore_mem>>)
      %dma_start3A_51 = arith.constant 1 : i32
      %dma_start3A_52 = arith.constant 0 : i32
      %dma_start3A_53 = tpu.memref_slice %arg6[%dma_start3A_51, %dma_start3A_52] : memref<8x125xi32, #tpu.memory_space<vmem>> -> memref<1x125xi32, #tpu.memory_space<vmem>>
      %dma_start3A_54 = tpu.memref_squeeze %dma_start3A_53 : memref<1x125xi32, #tpu.memory_space<vmem>> -> memref<125xi32, #tpu.memory_space<vmem>>
      %dma_start3A_55 = arith.constant 0 : i32
      %dma_start3A_56 = arith.constant 0 : i32
      %dma_start3A_57 = tpu.memref_slice %arg2[%dma_start3A_55, %dma_start3A_56] : memref<10240x128xf32, #tpu.memory_space<hbm>> -> memref<10240x128xf32, #tpu.memory_space<hbm>>
      tpu.enqueue_indirect_dma source(%dma_start3A_57 : memref<10240x128xf32, #tpu.memory_space<hbm>>) target(%arg11 : memref<125x128xf32, #tpu.memory_space<vmem>>) offsets(%dma_start3A_54 : memref<125xi32, #tpu.memory_space<vmem>>) semaphore(%arg14 : memref<!tpu.dma_semaphore, #tpu.memory_space<semaphore_mem>>)
      %dma_wait3A = arith.constant 0 : i32
      %dma_wait3A_58 = arith.constant 0 : i32
      %dma_wait3A_59 = tpu.memref_slice %arg6[%dma_wait3A, %dma_wait3A_58] : memref<8x125xi32, #tpu.memory_space<vmem>> -> memref<1x125xi32, #tpu.memory_space<vmem>>
      %dma_wait3A_60 = tpu.memref_squeeze %dma_wait3A_59 : memref<1x125xi32, #tpu.memory_space<vmem>> -> memref<125xi32, #tpu.memory_space<vmem>>
      %dma_wait3A_61 = arith.constant 0 : i32
      %dma_wait3A_62 = arith.constant 0 : i32
      %dma_wait3A_63 = tpu.memref_slice %arg2[%dma_wait3A_61, %dma_wait3A_62] : memref<10240x128xf32, #tpu.memory_space<hbm>> -> memref<10240x128xf32, #tpu.memory_space<hbm>>
      tpu.wait_indirect_dma semaphore(%arg13 : memref<!tpu.dma_semaphore, #tpu.memory_space<semaphore_mem>>) src(%dma_wait3A_63 : memref<10240x128xf32, #tpu.memory_space<hbm>>) dst(%arg10 : memref<125x128xf32, #tpu.memory_space<vmem>>)
      %run_scoped3A_64 = arith.constant 0 : i32
      "tpu.region"() ({
        %run_scoped3A_316 = tpu.sem_alloc : memref<!tpu.dma_semaphore, #tpu.memory_space<semaphore_mem>>
        %dma_start3A_317 = arith.constant 0 : i32
        %dma_start3A_318 = tpu.memref_slice %arg7[%run_scoped3A_64, %dma_start3A_317] : memref<8x125xi32, #tpu.memory_space<vmem>> -> memref<1x125xi32, #tpu.memory_space<vmem>>
        %dma_start3A_319 = tpu.memref_squeeze %dma_start3A_318 : memref<1x125xi32, #tpu.memory_space<vmem>> -> memref<125xi32, #tpu.memory_space<vmem>>
        %dma_start3A_320 = arith.constant 0 : i32
        %dma_start3A_321 = arith.constant 0 : i32
        %dma_start3A_322 = tpu.memref_slice %arg12[%dma_start3A_320, %dma_start3A_321] : memref<10240x128xf32, #tpu.memory_space<vmem_shared>> -> memref<10240x128xf32, #tpu.memory_space<vmem_shared>>
        tpu.enqueue_indirect_dma source(%arg10 : memref<125x128xf32, #tpu.memory_space<vmem>>) target(%dma_start3A_322 : memref<10240x128xf32, #tpu.memory_space<vmem_shared>>) offsets(%dma_start3A_319 : memref<125xi32, #tpu.memory_space<vmem>>) semaphore(%run_scoped3A_316 : memref<!tpu.dma_semaphore, #tpu.memory_space<semaphore_mem>>) {add = true}
        %dma_wait3A_323 = arith.constant 0 : i32
        %dma_wait3A_324 = tpu.memref_slice %arg7[%run_scoped3A_64, %dma_wait3A_323] : memref<8x125xi32, #tpu.memory_space<vmem>> -> memref<1x125xi32, #tpu.memory_space<vmem>>
        %dma_wait3A_325 = tpu.memref_squeeze %dma_wait3A_324 : memref<1x125xi32, #tpu.memory_space<vmem>> -> memref<125xi32, #tpu.memory_space<vmem>>
        %dma_wait3A_326 = arith.constant 0 : i32
        %dma_wait3A_327 = arith.constant 0 : i32
        %dma_wait3A_328 = tpu.memref_slice %arg12[%dma_wait3A_326, %dma_wait3A_327] : memref<10240x128xf32, #tpu.memory_space<vmem_shared>> -> memref<10240x128xf32, #tpu.memory_space<vmem_shared>>
        tpu.wait_indirect_dma semaphore(%run_scoped3A_316 : memref<!tpu.dma_semaphore, #tpu.memory_space<semaphore_mem>>) src(%arg10 : memref<125x128xf32, #tpu.memory_space<vmem>>) dst(%dma_wait3A_328 : memref<10240x128xf32, #tpu.memory_space<vmem_shared>>)
        tpu.yield
      }) : () -> ()
      %dma_start3A_65 = arith.constant 2 : i32
      %dma_start3A_66 = arith.constant 0 : i32
      %dma_start3A_67 = tpu.memref_slice %arg6[%dma_start3A_65, %dma_start3A_66] : memref<8x125xi32, #tpu.memory_space<vmem>> -> memref<1x125xi32, #tpu.memory_space<vmem>>
      %dma_start3A_68 = tpu.memref_squeeze %dma_start3A_67 : memref<1x125xi32, #tpu.memory_space<vmem>> -> memref<125xi32, #tpu.memory_space<vmem>>
      %dma_start3A_69 = arith.constant 0 : i32
      %dma_start3A_70 = arith.constant 0 : i32
      %dma_start3A_71 = tpu.memref_slice %arg2[%dma_start3A_69, %dma_start3A_70] : memref<10240x128xf32, #tpu.memory_space<hbm>> -> memref<10240x128xf32, #tpu.memory_space<hbm>>
      tpu.enqueue_indirect_dma source(%dma_start3A_71 : memref<10240x128xf32, #tpu.memory_space<hbm>>) target(%arg10 : memref<125x128xf32, #tpu.memory_space<vmem>>) offsets(%dma_start3A_68 : memref<125xi32, #tpu.memory_space<vmem>>) semaphore(%arg13 : memref<!tpu.dma_semaphore, #tpu.memory_space<semaphore_mem>>)
      %dma_wait3A_72 = arith.constant 1 : i32
      %dma_wait3A_73 = arith.constant 0 : i32
      %dma_wait3A_74 = tpu.memref_slice %arg6[%dma_wait3A_72, %dma_wait3A_73] : memref<8x125xi32, #tpu.memory_space<vmem>> -> memref<1x125xi32, #tpu.memory_space<vmem>>
      %dma_wait3A_75 = tpu.memref_squeeze %dma_wait3A_74 : memref<1x125xi32, #tpu.memory_space<vmem>> -> memref<125xi32, #tpu.memory_space<vmem>>
      %dma_wait3A_76 = arith.constant 0 : i32
      %dma_wait3A_77 = arith.constant 0 : i32
      %dma_wait3A_78 = tpu.memref_slice %arg2[%dma_wait3A_76, %dma_wait3A_77] : memref<10240x128xf32, #tpu.memory_space<hbm>> -> memref<10240x128xf32, #tpu.memory_space<hbm>>
      tpu.wait_indirect_dma semaphore(%arg14 : memref<!tpu.dma_semaphore, #tpu.memory_space<semaphore_mem>>) src(%dma_wait3A_78 : memref<10240x128xf32, #tpu.memory_space<hbm>>) dst(%arg11 : memref<125x128xf32, #tpu.memory_space<vmem>>)
      %run_scoped3A_79 = arith.constant 1 : i32
      "tpu.region"() ({
        %run_scoped3A_316 = tpu.sem_alloc : memref<!tpu.dma_semaphore, #tpu.memory_space<semaphore_mem>>
        %dma_start3A_317 = arith.constant 0 : i32
        %dma_start3A_318 = tpu.memref_slice %arg7[%run_scoped3A_79, %dma_start3A_317] : memref<8x125xi32, #tpu.memory_space<vmem>> -> memref<1x125xi32, #tpu.memory_space<vmem>>
        %dma_start3A_319 = tpu.memref_squeeze %dma_start3A_318 : memref<1x125xi32, #tpu.memory_space<vmem>> -> memref<125xi32, #tpu.memory_space<vmem>>
        %dma_start3A_320 = arith.constant 0 : i32
        %dma_start3A_321 = arith.constant 0 : i32
        %dma_start3A_322 = tpu.memref_slice %arg12[%dma_start3A_320, %dma_start3A_321] : memref<10240x128xf32, #tpu.memory_space<vmem_shared>> -> memref<10240x128xf32, #tpu.memory_space<vmem_shared>>
        tpu.enqueue_indirect_dma source(%arg11 : memref<125x128xf32, #tpu.memory_space<vmem>>) target(%dma_start3A_322 : memref<10240x128xf32, #tpu.memory_space<vmem_shared>>) offsets(%dma_start3A_319 : memref<125xi32, #tpu.memory_space<vmem>>) semaphore(%run_scoped3A_316 : memref<!tpu.dma_semaphore, #tpu.memory_space<semaphore_mem>>) {add = true}
        %dma_wait3A_323 = arith.constant 0 : i32
        %dma_wait3A_324 = tpu.memref_slice %arg7[%run_scoped3A_79, %dma_wait3A_323] : memref<8x125xi32, #tpu.memory_space<vmem>> -> memref<1x125xi32, #tpu.memory_space<vmem>>
        %dma_wait3A_325 = tpu.memref_squeeze %dma_wait3A_324 : memref<1x125xi32, #tpu.memory_space<vmem>> -> memref<125xi32, #tpu.memory_space<vmem>>
        %dma_wait3A_326 = arith.constant 0 : i32
        %dma_wait3A_327 = arith.constant 0 : i32
        %dma_wait3A_328 = tpu.memref_slice %arg12[%dma_wait3A_326, %dma_wait3A_327] : memref<10240x128xf32, #tpu.memory_space<vmem_shared>> -> memref<10240x128xf32, #tpu.memory_space<vmem_shared>>
        tpu.wait_indirect_dma semaphore(%run_scoped3A_316 : memref<!tpu.dma_semaphore, #tpu.memory_space<semaphore_mem>>) src(%arg11 : memref<125x128xf32, #tpu.memory_space<vmem>>) dst(%dma_wait3A_328 : memref<10240x128xf32, #tpu.memory_space<vmem_shared>>)
        tpu.yield
      }) : () -> ()
      %dma_start3A_80 = arith.constant 3 : i32
      %dma_start3A_81 = arith.constant 0 : i32
      %dma_start3A_82 = tpu.memref_slice %arg6[%dma_start3A_80, %dma_start3A_81] : memref<8x125xi32, #tpu.memory_space<vmem>> -> memref<1x125xi32, #tpu.memory_space<vmem>>
      %dma_start3A_83 = tpu.memref_squeeze %dma_start3A_82 : memref<1x125xi32, #tpu.memory_space<vmem>> -> memref<125xi32, #tpu.memory_space<vmem>>
      %dma_start3A_84 = arith.constant 0 : i32
      %dma_start3A_85 = arith.constant 0 : i32
      %dma_start3A_86 = tpu.memref_slice %arg2[%dma_start3A_84, %dma_start3A_85] : memref<10240x128xf32, #tpu.memory_space<hbm>> -> memref<10240x128xf32, #tpu.memory_space<hbm>>
      tpu.enqueue_indirect_dma source(%dma_start3A_86 : memref<10240x128xf32, #tpu.memory_space<hbm>>) target(%arg11 : memref<125x128xf32, #tpu.memory_space<vmem>>) offsets(%dma_start3A_83 : memref<125xi32, #tpu.memory_space<vmem>>) semaphore(%arg14 : memref<!tpu.dma_semaphore, #tpu.memory_space<semaphore_mem>>)
      %dma_wait3A_87 = arith.constant 2 : i32
      %dma_wait3A_88 = arith.constant 0 : i32
      %dma_wait3A_89 = tpu.memref_slice %arg6[%dma_wait3A_87, %dma_wait3A_88] : memref<8x125xi32, #tpu.memory_space<vmem>> -> memref<1x125xi32, #tpu.memory_space<vmem>>
      %dma_wait3A_90 = tpu.memref_squeeze %dma_wait3A_89 : memref<1x125xi32, #tpu.memory_space<vmem>> -> memref<125xi32, #tpu.memory_space<vmem>>
      %dma_wait3A_91 = arith.constant 0 : i32
      %dma_wait3A_92 = arith.constant 0 : i32
      %dma_wait3A_93 = tpu.memref_slice %arg2[%dma_wait3A_91, %dma_wait3A_92] : memref<10240x128xf32, #tpu.memory_space<hbm>> -> memref<10240x128xf32, #tpu.memory_space<hbm>>
      tpu.wait_indirect_dma semaphore(%arg13 : memref<!tpu.dma_semaphore, #tpu.memory_space<semaphore_mem>>) src(%dma_wait3A_93 : memref<10240x128xf32, #tpu.memory_space<hbm>>) dst(%arg10 : memref<125x128xf32, #tpu.memory_space<vmem>>)
      %run_scoped3A_94 = arith.constant 2 : i32
      "tpu.region"() ({
        %run_scoped3A_316 = tpu.sem_alloc : memref<!tpu.dma_semaphore, #tpu.memory_space<semaphore_mem>>
        %dma_start3A_317 = arith.constant 0 : i32
        %dma_start3A_318 = tpu.memref_slice %arg7[%run_scoped3A_94, %dma_start3A_317] : memref<8x125xi32, #tpu.memory_space<vmem>> -> memref<1x125xi32, #tpu.memory_space<vmem>>
        %dma_start3A_319 = tpu.memref_squeeze %dma_start3A_318 : memref<1x125xi32, #tpu.memory_space<vmem>> -> memref<125xi32, #tpu.memory_space<vmem>>
        %dma_start3A_320 = arith.constant 0 : i32
        %dma_start3A_321 = arith.constant 0 : i32
        %dma_start3A_322 = tpu.memref_slice %arg12[%dma_start3A_320, %dma_start3A_321] : memref<10240x128xf32, #tpu.memory_space<vmem_shared>> -> memref<10240x128xf32, #tpu.memory_space<vmem_shared>>
        tpu.enqueue_indirect_dma source(%arg10 : memref<125x128xf32, #tpu.memory_space<vmem>>) target(%dma_start3A_322 : memref<10240x128xf32, #tpu.memory_space<vmem_shared>>) offsets(%dma_start3A_319 : memref<125xi32, #tpu.memory_space<vmem>>) semaphore(%run_scoped3A_316 : memref<!tpu.dma_semaphore, #tpu.memory_space<semaphore_mem>>) {add = true}
        %dma_wait3A_323 = arith.constant 0 : i32
        %dma_wait3A_324 = tpu.memref_slice %arg7[%run_scoped3A_94, %dma_wait3A_323] : memref<8x125xi32, #tpu.memory_space<vmem>> -> memref<1x125xi32, #tpu.memory_space<vmem>>
        %dma_wait3A_325 = tpu.memref_squeeze %dma_wait3A_324 : memref<1x125xi32, #tpu.memory_space<vmem>> -> memref<125xi32, #tpu.memory_space<vmem>>
        %dma_wait3A_326 = arith.constant 0 : i32
        %dma_wait3A_327 = arith.constant 0 : i32
        %dma_wait3A_328 = tpu.memref_slice %arg12[%dma_wait3A_326, %dma_wait3A_327] : memref<10240x128xf32, #tpu.memory_space<vmem_shared>> -> memref<10240x128xf32, #tpu.memory_space<vmem_shared>>
        tpu.wait_indirect_dma semaphore(%run_scoped3A_316 : memref<!tpu.dma_semaphore, #tpu.memory_space<semaphore_mem>>) src(%arg10 : memref<125x128xf32, #tpu.memory_space<vmem>>) dst(%dma_wait3A_328 : memref<10240x128xf32, #tpu.memory_space<vmem_shared>>)
        tpu.yield
      }) : () -> ()
      %dma_start3A_95 = arith.constant 4 : i32
      %dma_start3A_96 = arith.constant 0 : i32
      %dma_start3A_97 = tpu.memref_slice %arg6[%dma_start3A_95, %dma_start3A_96] : memref<8x125xi32, #tpu.memory_space<vmem>> -> memref<1x125xi32, #tpu.memory_space<vmem>>
      %dma_start3A_98 = tpu.memref_squeeze %dma_start3A_97 : memref<1x125xi32, #tpu.memory_space<vmem>> -> memref<125xi32, #tpu.memory_space<vmem>>
      %dma_start3A_99 = arith.constant 0 : i32
      %dma_start3A_100 = arith.constant 0 : i32
      %dma_start3A_101 = tpu.memref_slice %arg2[%dma_start3A_99, %dma_start3A_100] : memref<10240x128xf32, #tpu.memory_space<hbm>> -> memref<10240x128xf32, #tpu.memory_space<hbm>>
      tpu.enqueue_indirect_dma source(%dma_start3A_101 : memref<10240x128xf32, #tpu.memory_space<hbm>>) target(%arg10 : memref<125x128xf32, #tpu.memory_space<vmem>>) offsets(%dma_start3A_98 : memref<125xi32, #tpu.memory_space<vmem>>) semaphore(%arg13 : memref<!tpu.dma_semaphore, #tpu.memory_space<semaphore_mem>>)
      %dma_wait3A_102 = arith.constant 3 : i32
      %dma_wait3A_103 = arith.constant 0 : i32
      %dma_wait3A_104 = tpu.memref_slice %arg6[%dma_wait3A_102, %dma_wait3A_103] : memref<8x125xi32, #tpu.memory_space<vmem>> -> memref<1x125xi32, #tpu.memory_space<vmem>>
      %dma_wait3A_105 = tpu.memref_squeeze %dma_wait3A_104 : memref<1x125xi32, #tpu.memory_space<vmem>> -> memref<125xi32, #tpu.memory_space<vmem>>
      %dma_wait3A_106 = arith.constant 0 : i32
      %dma_wait3A_107 = arith.constant 0 : i32
      %dma_wait3A_108 = tpu.memref_slice %arg2[%dma_wait3A_106, %dma_wait3A_107] : memref<10240x128xf32, #tpu.memory_space<hbm>> -> memref<10240x128xf32, #tpu.memory_space<hbm>>
      tpu.wait_indirect_dma semaphore(%arg14 : memref<!tpu.dma_semaphore, #tpu.memory_space<semaphore_mem>>) src(%dma_wait3A_108 : memref<10240x128xf32, #tpu.memory_space<hbm>>) dst(%arg11 : memref<125x128xf32, #tpu.memory_space<vmem>>)
      %run_scoped3A_109 = arith.constant 3 : i32
      "tpu.region"() ({
        %run_scoped3A_316 = tpu.sem_alloc : memref<!tpu.dma_semaphore, #tpu.memory_space<semaphore_mem>>
        %dma_start3A_317 = arith.constant 0 : i32
        %dma_start3A_318 = tpu.memref_slice %arg7[%run_scoped3A_109, %dma_start3A_317] : memref<8x125xi32, #tpu.memory_space<vmem>> -> memref<1x125xi32, #tpu.memory_space<vmem>>
        %dma_start3A_319 = tpu.memref_squeeze %dma_start3A_318 : memref<1x125xi32, #tpu.memory_space<vmem>> -> memref<125xi32, #tpu.memory_space<vmem>>
        %dma_start3A_320 = arith.constant 0 : i32
        %dma_start3A_321 = arith.constant 0 : i32
        %dma_start3A_322 = tpu.memref_slice %arg12[%dma_start3A_320, %dma_start3A_321] : memref<10240x128xf32, #tpu.memory_space<vmem_shared>> -> memref<10240x128xf32, #tpu.memory_space<vmem_shared>>
        tpu.enqueue_indirect_dma source(%arg11 : memref<125x128xf32, #tpu.memory_space<vmem>>) target(%dma_start3A_322 : memref<10240x128xf32, #tpu.memory_space<vmem_shared>>) offsets(%dma_start3A_319 : memref<125xi32, #tpu.memory_space<vmem>>) semaphore(%run_scoped3A_316 : memref<!tpu.dma_semaphore, #tpu.memory_space<semaphore_mem>>) {add = true}
        %dma_wait3A_323 = arith.constant 0 : i32
        %dma_wait3A_324 = tpu.memref_slice %arg7[%run_scoped3A_109, %dma_wait3A_323] : memref<8x125xi32, #tpu.memory_space<vmem>> -> memref<1x125xi32, #tpu.memory_space<vmem>>
        %dma_wait3A_325 = tpu.memref_squeeze %dma_wait3A_324 : memref<1x125xi32, #tpu.memory_space<vmem>> -> memref<125xi32, #tpu.memory_space<vmem>>
        %dma_wait3A_326 = arith.constant 0 : i32
        %dma_wait3A_327 = arith.constant 0 : i32
        %dma_wait3A_328 = tpu.memref_slice %arg12[%dma_wait3A_326, %dma_wait3A_327] : memref<10240x128xf32, #tpu.memory_space<vmem_shared>> -> memref<10240x128xf32, #tpu.memory_space<vmem_shared>>
        tpu.wait_indirect_dma semaphore(%run_scoped3A_316 : memref<!tpu.dma_semaphore, #tpu.memory_space<semaphore_mem>>) src(%arg11 : memref<125x128xf32, #tpu.memory_space<vmem>>) dst(%dma_wait3A_328 : memref<10240x128xf32, #tpu.memory_space<vmem_shared>>)
        tpu.yield
      }) : () -> ()
      %dma_start3A_110 = arith.constant 5 : i32
      %dma_start3A_111 = arith.constant 0 : i32
      %dma_start3A_112 = tpu.memref_slice %arg6[%dma_start3A_110, %dma_start3A_111] : memref<8x125xi32, #tpu.memory_space<vmem>> -> memref<1x125xi32, #tpu.memory_space<vmem>>
      %dma_start3A_113 = tpu.memref_squeeze %dma_start3A_112 : memref<1x125xi32, #tpu.memory_space<vmem>> -> memref<125xi32, #tpu.memory_space<vmem>>
      %dma_start3A_114 = arith.constant 0 : i32
      %dma_start3A_115 = arith.constant 0 : i32
      %dma_start3A_116 = tpu.memref_slice %arg2[%dma_start3A_114, %dma_start3A_115] : memref<10240x128xf32, #tpu.memory_space<hbm>> -> memref<10240x128xf32, #tpu.memory_space<hbm>>
      tpu.enqueue_indirect_dma source(%dma_start3A_116 : memref<10240x128xf32, #tpu.memory_space<hbm>>) target(%arg11 : memref<125x128xf32, #tpu.memory_space<vmem>>) offsets(%dma_start3A_113 : memref<125xi32, #tpu.memory_space<vmem>>) semaphore(%arg14 : memref<!tpu.dma_semaphore, #tpu.memory_space<semaphore_mem>>)
      %dma_wait3A_117 = arith.constant 4 : i32
      %dma_wait3A_118 = arith.constant 0 : i32
      %dma_wait3A_119 = tpu.memref_slice %arg6[%dma_wait3A_117, %dma_wait3A_118] : memref<8x125xi32, #tpu.memory_space<vmem>> -> memref<1x125xi32, #tpu.memory_space<vmem>>
      %dma_wait3A_120 = tpu.memref_squeeze %dma_wait3A_119 : memref<1x125xi32, #tpu.memory_space<vmem>> -> memref<125xi32, #tpu.memory_space<vmem>>
      %dma_wait3A_121 = arith.constant 0 : i32
      %dma_wait3A_122 = arith.constant 0 : i32
      %dma_wait3A_123 = tpu.memref_slice %arg2[%dma_wait3A_121, %dma_wait3A_122] : memref<10240x128xf32, #tpu.memory_space<hbm>> -> memref<10240x128xf32, #tpu.memory_space<hbm>>
      tpu.wait_indirect_dma semaphore(%arg13 : memref<!tpu.dma_semaphore, #tpu.memory_space<semaphore_mem>>) src(%dma_wait3A_123 : memref<10240x128xf32, #tpu.memory_space<hbm>>) dst(%arg10 : memref<125x128xf32, #tpu.memory_space<vmem>>)
      %run_scoped3A_124 = arith.constant 4 : i32
      "tpu.region"() ({
        %run_scoped3A_316 = tpu.sem_alloc : memref<!tpu.dma_semaphore, #tpu.memory_space<semaphore_mem>>
        %dma_start3A_317 = arith.constant 0 : i32
        %dma_start3A_318 = tpu.memref_slice %arg7[%run_scoped3A_124, %dma_start3A_317] : memref<8x125xi32, #tpu.memory_space<vmem>> -> memref<1x125xi32, #tpu.memory_space<vmem>>
        %dma_start3A_319 = tpu.memref_squeeze %dma_start3A_318 : memref<1x125xi32, #tpu.memory_space<vmem>> -> memref<125xi32, #tpu.memory_space<vmem>>
        %dma_start3A_320 = arith.constant 0 : i32
        %dma_start3A_321 = arith.constant 0 : i32
        %dma_start3A_322 = tpu.memref_slice %arg12[%dma_start3A_320, %dma_start3A_321] : memref<10240x128xf32, #tpu.memory_space<vmem_shared>> -> memref<10240x128xf32, #tpu.memory_space<vmem_shared>>
        tpu.enqueue_indirect_dma source(%arg10 : memref<125x128xf32, #tpu.memory_space<vmem>>) target(%dma_start3A_322 : memref<10240x128xf32, #tpu.memory_space<vmem_shared>>) offsets(%dma_start3A_319 : memref<125xi32, #tpu.memory_space<vmem>>) semaphore(%run_scoped3A_316 : memref<!tpu.dma_semaphore, #tpu.memory_space<semaphore_mem>>) {add = true}
        %dma_wait3A_323 = arith.constant 0 : i32
        %dma_wait3A_324 = tpu.memref_slice %arg7[%run_scoped3A_124, %dma_wait3A_323] : memref<8x125xi32, #tpu.memory_space<vmem>> -> memref<1x125xi32, #tpu.memory_space<vmem>>
        %dma_wait3A_325 = tpu.memref_squeeze %dma_wait3A_324 : memref<1x125xi32, #tpu.memory_space<vmem>> -> memref<125xi32, #tpu.memory_space<vmem>>
        %dma_wait3A_326 = arith.constant 0 : i32
        %dma_wait3A_327 = arith.constant 0 : i32
        %dma_wait3A_328 = tpu.memref_slice %arg12[%dma_wait3A_326, %dma_wait3A_327] : memref<10240x128xf32, #tpu.memory_space<vmem_shared>> -> memref<10240x128xf32, #tpu.memory_space<vmem_shared>>
        tpu.wait_indirect_dma semaphore(%run_scoped3A_316 : memref<!tpu.dma_semaphore, #tpu.memory_space<semaphore_mem>>) src(%arg10 : memref<125x128xf32, #tpu.memory_space<vmem>>) dst(%dma_wait3A_328 : memref<10240x128xf32, #tpu.memory_space<vmem_shared>>)
        tpu.yield
      }) : () -> ()
      %dma_start3A_125 = arith.constant 6 : i32
      %dma_start3A_126 = arith.constant 0 : i32
      %dma_start3A_127 = tpu.memref_slice %arg6[%dma_start3A_125, %dma_start3A_126] : memref<8x125xi32, #tpu.memory_space<vmem>> -> memref<1x125xi32, #tpu.memory_space<vmem>>
      %dma_start3A_128 = tpu.memref_squeeze %dma_start3A_127 : memref<1x125xi32, #tpu.memory_space<vmem>> -> memref<125xi32, #tpu.memory_space<vmem>>
      %dma_start3A_129 = arith.constant 0 : i32
      %dma_start3A_130 = arith.constant 0 : i32
      %dma_start3A_131 = tpu.memref_slice %arg2[%dma_start3A_129, %dma_start3A_130] : memref<10240x128xf32, #tpu.memory_space<hbm>> -> memref<10240x128xf32, #tpu.memory_space<hbm>>
      tpu.enqueue_indirect_dma source(%dma_start3A_131 : memref<10240x128xf32, #tpu.memory_space<hbm>>) target(%arg10 : memref<125x128xf32, #tpu.memory_space<vmem>>) offsets(%dma_start3A_128 : memref<125xi32, #tpu.memory_space<vmem>>) semaphore(%arg13 : memref<!tpu.dma_semaphore, #tpu.memory_space<semaphore_mem>>)
      %dma_wait3A_132 = arith.constant 5 : i32
      %dma_wait3A_133 = arith.constant 0 : i32
      %dma_wait3A_134 = tpu.memref_slice %arg6[%dma_wait3A_132, %dma_wait3A_133] : memref<8x125xi32, #tpu.memory_space<vmem>> -> memref<1x125xi32, #tpu.memory_space<vmem>>
      %dma_wait3A_135 = tpu.memref_squeeze %dma_wait3A_134 : memref<1x125xi32, #tpu.memory_space<vmem>> -> memref<125xi32, #tpu.memory_space<vmem>>
      %dma_wait3A_136 = arith.constant 0 : i32
      %dma_wait3A_137 = arith.constant 0 : i32
      %dma_wait3A_138 = tpu.memref_slice %arg2[%dma_wait3A_136, %dma_wait3A_137] : memref<10240x128xf32, #tpu.memory_space<hbm>> -> memref<10240x128xf32, #tpu.memory_space<hbm>>
      tpu.wait_indirect_dma semaphore(%arg14 : memref<!tpu.dma_semaphore, #tpu.memory_space<semaphore_mem>>) src(%dma_wait3A_138 : memref<10240x128xf32, #tpu.memory_space<hbm>>) dst(%arg11 : memref<125x128xf32, #tpu.memory_space<vmem>>)
      %run_scoped3A_139 = arith.constant 5 : i32
      "tpu.region"() ({
        %run_scoped3A_316 = tpu.sem_alloc : memref<!tpu.dma_semaphore, #tpu.memory_space<semaphore_mem>>
        %dma_start3A_317 = arith.constant 0 : i32
        %dma_start3A_318 = tpu.memref_slice %arg7[%run_scoped3A_139, %dma_start3A_317] : memref<8x125xi32, #tpu.memory_space<vmem>> -> memref<1x125xi32, #tpu.memory_space<vmem>>
        %dma_start3A_319 = tpu.memref_squeeze %dma_start3A_318 : memref<1x125xi32, #tpu.memory_space<vmem>> -> memref<125xi32, #tpu.memory_space<vmem>>
        %dma_start3A_320 = arith.constant 0 : i32
        %dma_start3A_321 = arith.constant 0 : i32
        %dma_start3A_322 = tpu.memref_slice %arg12[%dma_start3A_320, %dma_start3A_321] : memref<10240x128xf32, #tpu.memory_space<vmem_shared>> -> memref<10240x128xf32, #tpu.memory_space<vmem_shared>>
        tpu.enqueue_indirect_dma source(%arg11 : memref<125x128xf32, #tpu.memory_space<vmem>>) target(%dma_start3A_322 : memref<10240x128xf32, #tpu.memory_space<vmem_shared>>) offsets(%dma_start3A_319 : memref<125xi32, #tpu.memory_space<vmem>>) semaphore(%run_scoped3A_316 : memref<!tpu.dma_semaphore, #tpu.memory_space<semaphore_mem>>) {add = true}
        %dma_wait3A_323 = arith.constant 0 : i32
        %dma_wait3A_324 = tpu.memref_slice %arg7[%run_scoped3A_139, %dma_wait3A_323] : memref<8x125xi32, #tpu.memory_space<vmem>> -> memref<1x125xi32, #tpu.memory_space<vmem>>
        %dma_wait3A_325 = tpu.memref_squeeze %dma_wait3A_324 : memref<1x125xi32, #tpu.memory_space<vmem>> -> memref<125xi32, #tpu.memory_space<vmem>>
        %dma_wait3A_326 = arith.constant 0 : i32
        %dma_wait3A_327 = arith.constant 0 : i32
        %dma_wait3A_328 = tpu.memref_slice %arg12[%dma_wait3A_326, %dma_wait3A_327] : memref<10240x128xf32, #tpu.memory_space<vmem_shared>> -> memref<10240x128xf32, #tpu.memory_space<vmem_shared>>
        tpu.wait_indirect_dma semaphore(%run_scoped3A_316 : memref<!tpu.dma_semaphore, #tpu.memory_space<semaphore_mem>>) src(%arg11 : memref<125x128xf32, #tpu.memory_space<vmem>>) dst(%dma_wait3A_328 : memref<10240x128xf32, #tpu.memory_space<vmem_shared>>)
        tpu.yield
      }) : () -> ()
      %dma_start3A_140 = arith.constant 7 : i32
      %dma_start3A_141 = arith.constant 0 : i32
      %dma_start3A_142 = tpu.memref_slice %arg6[%dma_start3A_140, %dma_start3A_141] : memref<8x125xi32, #tpu.memory_space<vmem>> -> memref<1x125xi32, #tpu.memory_space<vmem>>
      %dma_start3A_143 = tpu.memref_squeeze %dma_start3A_142 : memref<1x125xi32, #tpu.memory_space<vmem>> -> memref<125xi32, #tpu.memory_space<vmem>>
      %dma_start3A_144 = arith.constant 0 : i32
      %dma_start3A_145 = arith.constant 0 : i32
      %dma_start3A_146 = tpu.memref_slice %arg2[%dma_start3A_144, %dma_start3A_145] : memref<10240x128xf32, #tpu.memory_space<hbm>> -> memref<10240x128xf32, #tpu.memory_space<hbm>>
      tpu.enqueue_indirect_dma source(%dma_start3A_146 : memref<10240x128xf32, #tpu.memory_space<hbm>>) target(%arg11 : memref<125x128xf32, #tpu.memory_space<vmem>>) offsets(%dma_start3A_143 : memref<125xi32, #tpu.memory_space<vmem>>) semaphore(%arg14 : memref<!tpu.dma_semaphore, #tpu.memory_space<semaphore_mem>>)
      %dma_wait3A_147 = arith.constant 6 : i32
      %dma_wait3A_148 = arith.constant 0 : i32
      %dma_wait3A_149 = tpu.memref_slice %arg6[%dma_wait3A_147, %dma_wait3A_148] : memref<8x125xi32, #tpu.memory_space<vmem>> -> memref<1x125xi32, #tpu.memory_space<vmem>>
      %dma_wait3A_150 = tpu.memref_squeeze %dma_wait3A_149 : memref<1x125xi32, #tpu.memory_space<vmem>> -> memref<125xi32, #tpu.memory_space<vmem>>
      %dma_wait3A_151 = arith.constant 0 : i32
      %dma_wait3A_152 = arith.constant 0 : i32
      %dma_wait3A_153 = tpu.memref_slice %arg2[%dma_wait3A_151, %dma_wait3A_152] : memref<10240x128xf32, #tpu.memory_space<hbm>> -> memref<10240x128xf32, #tpu.memory_space<hbm>>
      tpu.wait_indirect_dma semaphore(%arg13 : memref<!tpu.dma_semaphore, #tpu.memory_space<semaphore_mem>>) src(%dma_wait3A_153 : memref<10240x128xf32, #tpu.memory_space<hbm>>) dst(%arg10 : memref<125x128xf32, #tpu.memory_space<vmem>>)
      %run_scoped3A_154 = arith.constant 6 : i32
      "tpu.region"() ({
        %run_scoped3A_316 = tpu.sem_alloc : memref<!tpu.dma_semaphore, #tpu.memory_space<semaphore_mem>>
        %dma_start3A_317 = arith.constant 0 : i32
        %dma_start3A_318 = tpu.memref_slice %arg7[%run_scoped3A_154, %dma_start3A_317] : memref<8x125xi32, #tpu.memory_space<vmem>> -> memref<1x125xi32, #tpu.memory_space<vmem>>
        %dma_start3A_319 = tpu.memref_squeeze %dma_start3A_318 : memref<1x125xi32, #tpu.memory_space<vmem>> -> memref<125xi32, #tpu.memory_space<vmem>>
        %dma_start3A_320 = arith.constant 0 : i32
        %dma_start3A_321 = arith.constant 0 : i32
        %dma_start3A_322 = tpu.memref_slice %arg12[%dma_start3A_320, %dma_start3A_321] : memref<10240x128xf32, #tpu.memory_space<vmem_shared>> -> memref<10240x128xf32, #tpu.memory_space<vmem_shared>>
        tpu.enqueue_indirect_dma source(%arg10 : memref<125x128xf32, #tpu.memory_space<vmem>>) target(%dma_start3A_322 : memref<10240x128xf32, #tpu.memory_space<vmem_shared>>) offsets(%dma_start3A_319 : memref<125xi32, #tpu.memory_space<vmem>>) semaphore(%run_scoped3A_316 : memref<!tpu.dma_semaphore, #tpu.memory_space<semaphore_mem>>) {add = true}
        %dma_wait3A_323 = arith.constant 0 : i32
        %dma_wait3A_324 = tpu.memref_slice %arg7[%run_scoped3A_154, %dma_wait3A_323] : memref<8x125xi32, #tpu.memory_space<vmem>> -> memref<1x125xi32, #tpu.memory_space<vmem>>
        %dma_wait3A_325 = tpu.memref_squeeze %dma_wait3A_324 : memref<1x125xi32, #tpu.memory_space<vmem>> -> memref<125xi32, #tpu.memory_space<vmem>>
        %dma_wait3A_326 = arith.constant 0 : i32
        %dma_wait3A_327 = arith.constant 0 : i32
        %dma_wait3A_328 = tpu.memref_slice %arg12[%dma_wait3A_326, %dma_wait3A_327] : memref<10240x128xf32, #tpu.memory_space<vmem_shared>> -> memref<10240x128xf32, #tpu.memory_space<vmem_shared>>
        tpu.wait_indirect_dma semaphore(%run_scoped3A_316 : memref<!tpu.dma_semaphore, #tpu.memory_space<semaphore_mem>>) src(%arg10 : memref<125x128xf32, #tpu.memory_space<vmem>>) dst(%dma_wait3A_328 : memref<10240x128xf32, #tpu.memory_space<vmem_shared>>)
        tpu.yield
      }) : () -> ()
      %dma_wait3A_155 = arith.constant 7 : i32
      %dma_wait3A_156 = arith.constant 0 : i32
      %dma_wait3A_157 = tpu.memref_slice %arg6[%dma_wait3A_155, %dma_wait3A_156] : memref<8x125xi32, #tpu.memory_space<vmem>> -> memref<1x125xi32, #tpu.memory_space<vmem>>
      %dma_wait3A_158 = tpu.memref_squeeze %dma_wait3A_157 : memref<1x125xi32, #tpu.memory_space<vmem>> -> memref<125xi32, #tpu.memory_space<vmem>>
      %dma_wait3A_159 = arith.constant 0 : i32
      %dma_wait3A_160 = arith.constant 0 : i32
      %dma_wait3A_161 = tpu.memref_slice %arg2[%dma_wait3A_159, %dma_wait3A_160] : memref<10240x128xf32, #tpu.memory_space<hbm>> -> memref<10240x128xf32, #tpu.memory_space<hbm>>
      tpu.wait_indirect_dma semaphore(%arg14 : memref<!tpu.dma_semaphore, #tpu.memory_space<semaphore_mem>>) src(%dma_wait3A_161 : memref<10240x128xf32, #tpu.memory_space<hbm>>) dst(%arg11 : memref<125x128xf32, #tpu.memory_space<vmem>>)
      %run_scoped3A_162 = arith.constant 7 : i32
      "tpu.region"() ({
        %run_scoped3A_316 = tpu.sem_alloc : memref<!tpu.dma_semaphore, #tpu.memory_space<semaphore_mem>>
        %dma_start3A_317 = arith.constant 0 : i32
        %dma_start3A_318 = tpu.memref_slice %arg7[%run_scoped3A_162, %dma_start3A_317] : memref<8x125xi32, #tpu.memory_space<vmem>> -> memref<1x125xi32, #tpu.memory_space<vmem>>
        %dma_start3A_319 = tpu.memref_squeeze %dma_start3A_318 : memref<1x125xi32, #tpu.memory_space<vmem>> -> memref<125xi32, #tpu.memory_space<vmem>>
        %dma_start3A_320 = arith.constant 0 : i32
        %dma_start3A_321 = arith.constant 0 : i32
        %dma_start3A_322 = tpu.memref_slice %arg12[%dma_start3A_320, %dma_start3A_321] : memref<10240x128xf32, #tpu.memory_space<vmem_shared>> -> memref<10240x128xf32, #tpu.memory_space<vmem_shared>>
        tpu.enqueue_indirect_dma source(%arg11 : memref<125x128xf32, #tpu.memory_space<vmem>>) target(%dma_start3A_322 : memref<10240x128xf32, #tpu.memory_space<vmem_shared>>) offsets(%dma_start3A_319 : memref<125xi32, #tpu.memory_space<vmem>>) semaphore(%run_scoped3A_316 : memref<!tpu.dma_semaphore, #tpu.memory_space<semaphore_mem>>) {add = true}
        %dma_wait3A_323 = arith.constant 0 : i32
        %dma_wait3A_324 = tpu.memref_slice %arg7[%run_scoped3A_162, %dma_wait3A_323] : memref<8x125xi32, #tpu.memory_space<vmem>> -> memref<1x125xi32, #tpu.memory_space<vmem>>
        %dma_wait3A_325 = tpu.memref_squeeze %dma_wait3A_324 : memref<1x125xi32, #tpu.memory_space<vmem>> -> memref<125xi32, #tpu.memory_space<vmem>>
        %dma_wait3A_326 = arith.constant 0 : i32
        %dma_wait3A_327 = arith.constant 0 : i32
        %dma_wait3A_328 = tpu.memref_slice %arg12[%dma_wait3A_326, %dma_wait3A_327] : memref<10240x128xf32, #tpu.memory_space<vmem_shared>> -> memref<10240x128xf32, #tpu.memory_space<vmem_shared>>
        tpu.wait_indirect_dma semaphore(%run_scoped3A_316 : memref<!tpu.dma_semaphore, #tpu.memory_space<semaphore_mem>>) src(%arg11 : memref<125x128xf32, #tpu.memory_space<vmem>>) dst(%dma_wait3A_328 : memref<10240x128xf32, #tpu.memory_space<vmem_shared>>)
        tpu.yield
      }) : () -> ()
      %add3A_163 = arith.constant 8 : i32
      %add3A_164 = arith.addi %add3A_26, %add3A_163 : i32
      %dma_wait3A_165 = arith.constant 0 : i32
      %dma_wait3A_166 = arith.constant 0 : i32
      %dma_wait3A_167 = tpu.memref_slice %arg3[%dma_wait3A_165, %add3A_164, %dma_wait3A_166] : memref<2x2560x125xi32, #tpu.memory_space<hbm>> -> memref<1x8x125xi32, #tpu.memory_space<hbm>>
      %dma_wait3A_168 = tpu.memref_squeeze %dma_wait3A_167 : memref<1x8x125xi32, #tpu.memory_space<hbm>> -> memref<8x125xi32, #tpu.memory_space<hbm>>
      %dma_wait3A_169 = arith.constant 0 : i32
      %dma_wait3A_170 = tpu.memref_slice %arg3[%dma_wait3A_165, %add3A_164, %dma_wait3A_169] : memref<2x2560x125xi32, #tpu.memory_space<hbm>> -> memref<1x8x125xi32, #tpu.memory_space<hbm>>
      %dma_wait3A_171 = tpu.memref_squeeze %dma_wait3A_170 : memref<1x8x125xi32, #tpu.memory_space<hbm>> -> memref<8x125xi32, #tpu.memory_space<hbm>>
      tpu.wait_dma2 semaphore(%arg15 : memref<!tpu.dma_semaphore, #tpu.memory_space<semaphore_mem>>) src(%dma_wait3A_171 : memref<8x125xi32, #tpu.memory_space<hbm>>) dst(%arg8 : memref<8x125xi32, #tpu.memory_space<vmem>>)
      %add3A_172 = arith.constant 8 : i32
      %add3A_173 = arith.addi %add3A_26, %add3A_172 : i32
      %dma_wait3A_174 = arith.constant 1 : i32
      %dma_wait3A_175 = arith.constant 0 : i32
      %dma_wait3A_176 = tpu.memref_slice %arg3[%dma_wait3A_174, %add3A_173, %dma_wait3A_175] : memref<2x2560x125xi32, #tpu.memory_space<hbm>> -> memref<1x8x125xi32, #tpu.memory_space<hbm>>
      %dma_wait3A_177 = tpu.memref_squeeze %dma_wait3A_176 : memref<1x8x125xi32, #tpu.memory_space<hbm>> -> memref<8x125xi32, #tpu.memory_space<hbm>>
      %dma_wait3A_178 = arith.constant 0 : i32
      %dma_wait3A_179 = tpu.memref_slice %arg3[%dma_wait3A_174, %add3A_173, %dma_wait3A_178] : memref<2x2560x125xi32, #tpu.memory_space<hbm>> -> memref<1x8x125xi32, #tpu.memory_space<hbm>>
      %dma_wait3A_180 = tpu.memref_squeeze %dma_wait3A_179 : memref<1x8x125xi32, #tpu.memory_space<hbm>> -> memref<8x125xi32, #tpu.memory_space<hbm>>
      tpu.wait_dma2 semaphore(%arg16 : memref<!tpu.dma_semaphore, #tpu.memory_space<semaphore_mem>>) src(%dma_wait3A_180 : memref<8x125xi32, #tpu.memory_space<hbm>>) dst(%arg9 : memref<8x125xi32, #tpu.memory_space<vmem>>)
      %add3A_181 = arith.constant 16 : i32
      %add3A_182 = arith.addi %add3A_26, %add3A_181 : i32
      %add3A_183 = arith.constant 1 : i32
      %add3A_184 = arith.addi %scan3A_21, %add3A_183 : i32
      %lt3A = arith.constant 5 : i32
      %lt3A_185 = arith.cmpi slt, %add3A_184, %lt3A : i32
      %convert_element_type3A_186 = arith.extui %lt3A_185 : i1 to i32
      %cond3A_187 = arith.constant 0 : i32
      %cond3A_188 = arith.cmpi ne, %convert_element_type3A_186, %cond3A_187 : i32
      scf.if %cond3A_188 {
        %dma_start3A_316 = arith.constant 0 : i32
        %dma_start3A_317 = arith.constant 0 : i32
        %dma_start3A_318 = tpu.memref_slice %arg3[%dma_start3A_316, %add3A_182, %dma_start3A_317] : memref<2x2560x125xi32, #tpu.memory_space<hbm>> -> memref<1x8x125xi32, #tpu.memory_space<hbm>>
        %dma_start3A_319 = tpu.memref_squeeze %dma_start3A_318 : memref<1x8x125xi32, #tpu.memory_space<hbm>> -> memref<8x125xi32, #tpu.memory_space<hbm>>
        %dma_start3A_320 = arith.constant 0 : i32
        %dma_start3A_321 = tpu.memref_slice %arg3[%dma_start3A_316, %add3A_182, %dma_start3A_320] : memref<2x2560x125xi32, #tpu.memory_space<hbm>> -> memref<1x8x125xi32, #tpu.memory_space<hbm>>
        %dma_start3A_322 = tpu.memref_squeeze %dma_start3A_321 : memref<1x8x125xi32, #tpu.memory_space<hbm>> -> memref<8x125xi32, #tpu.memory_space<hbm>>
        tpu.enqueue_dma source(%dma_start3A_322 : memref<8x125xi32, #tpu.memory_space<hbm>>) target(%arg6 : memref<8x125xi32, #tpu.memory_space<vmem>>) target_semaphore(%arg15 : memref<!tpu.dma_semaphore, #tpu.memory_space<semaphore_mem>>)
        %dma_start3A_323 = arith.constant 1 : i32
        %dma_start3A_324 = arith.constant 0 : i32
        %dma_start3A_325 = tpu.memref_slice %arg3[%dma_start3A_323, %add3A_182, %dma_start3A_324] : memref<2x2560x125xi32, #tpu.memory_space<hbm>> -> memref<1x8x125xi32, #tpu.memory_space<hbm>>
        %dma_start3A_326 = tpu.memref_squeeze %dma_start3A_325 : memref<1x8x125xi32, #tpu.memory_space<hbm>> -> memref<8x125xi32, #tpu.memory_space<hbm>>
        %dma_start3A_327 = arith.constant 0 : i32
        %dma_start3A_328 = tpu.memref_slice %arg3[%dma_start3A_323, %add3A_182, %dma_start3A_327] : memref<2x2560x125xi32, #tpu.memory_space<hbm>> -> memref<1x8x125xi32, #tpu.memory_space<hbm>>
        %dma_start3A_329 = tpu.memref_squeeze %dma_start3A_328 : memref<1x8x125xi32, #tpu.memory_space<hbm>> -> memref<8x125xi32, #tpu.memory_space<hbm>>
        tpu.enqueue_dma source(%dma_start3A_329 : memref<8x125xi32, #tpu.memory_space<hbm>>) target(%arg7 : memref<8x125xi32, #tpu.memory_space<vmem>>) target_semaphore(%arg16 : memref<!tpu.dma_semaphore, #tpu.memory_space<semaphore_mem>>)
      } else {
      }
      %dma_start3A_189 = arith.constant 0 : i32
      %dma_start3A_190 = arith.constant 0 : i32
      %dma_start3A_191 = tpu.memref_slice %arg8[%dma_start3A_189, %dma_start3A_190] : memref<8x125xi32, #tpu.memory_space<vmem>> -> memref<1x125xi32, #tpu.memory_space<vmem>>
      %dma_start3A_192 = tpu.memref_squeeze %dma_start3A_191 : memref<1x125xi32, #tpu.memory_space<vmem>> -> memref<125xi32, #tpu.memory_space<vmem>>
      %dma_start3A_193 = arith.constant 0 : i32
      %dma_start3A_194 = arith.constant 0 : i32
      %dma_start3A_195 = tpu.memref_slice %arg2[%dma_start3A_193, %dma_start3A_194] : memref<10240x128xf32, #tpu.memory_space<hbm>> -> memref<10240x128xf32, #tpu.memory_space<hbm>>
      tpu.enqueue_indirect_dma source(%dma_start3A_195 : memref<10240x128xf32, #tpu.memory_space<hbm>>) target(%arg10 : memref<125x128xf32, #tpu.memory_space<vmem>>) offsets(%dma_start3A_192 : memref<125xi32, #tpu.memory_space<vmem>>) semaphore(%arg13 : memref<!tpu.dma_semaphore, #tpu.memory_space<semaphore_mem>>)
      %dma_start3A_196 = arith.constant 1 : i32
      %dma_start3A_197 = arith.constant 0 : i32
      %dma_start3A_198 = tpu.memref_slice %arg8[%dma_start3A_196, %dma_start3A_197] : memref<8x125xi32, #tpu.memory_space<vmem>> -> memref<1x125xi32, #tpu.memory_space<vmem>>
      %dma_start3A_199 = tpu.memref_squeeze %dma_start3A_198 : memref<1x125xi32, #tpu.memory_space<vmem>> -> memref<125xi32, #tpu.memory_space<vmem>>
      %dma_start3A_200 = arith.constant 0 : i32
      %dma_start3A_201 = arith.constant 0 : i32
      %dma_start3A_202 = tpu.memref_slice %arg2[%dma_start3A_200, %dma_start3A_201] : memref<10240x128xf32, #tpu.memory_space<hbm>> -> memref<10240x128xf32, #tpu.memory_space<hbm>>
      tpu.enqueue_indirect_dma source(%dma_start3A_202 : memref<10240x128xf32, #tpu.memory_space<hbm>>) target(%arg11 : memref<125x128xf32, #tpu.memory_space<vmem>>) offsets(%dma_start3A_199 : memref<125xi32, #tpu.memory_space<vmem>>) semaphore(%arg14 : memref<!tpu.dma_semaphore, #tpu.memory_space<semaphore_mem>>)
      %dma_wait3A_203 = arith.constant 0 : i32
      %dma_wait3A_204 = arith.constant 0 : i32
      %dma_wait3A_205 = tpu.memref_slice %arg8[%dma_wait3A_203, %dma_wait3A_204] : memref<8x125xi32, #tpu.memory_space<vmem>> -> memref<1x125xi32, #tpu.memory_space<vmem>>
      %dma_wait3A_206 = tpu.memref_squeeze %dma_wait3A_205 : memref<1x125xi32, #tpu.memory_space<vmem>> -> memref<125xi32, #tpu.memory_space<vmem>>
      %dma_wait3A_207 = arith.constant 0 : i32
      %dma_wait3A_208 = arith.constant 0 : i32
      %dma_wait3A_209 = tpu.memref_slice %arg2[%dma_wait3A_207, %dma_wait3A_208] : memref<10240x128xf32, #tpu.memory_space<hbm>> -> memref<10240x128xf32, #tpu.memory_space<hbm>>
      tpu.wait_indirect_dma semaphore(%arg13 : memref<!tpu.dma_semaphore, #tpu.memory_space<semaphore_mem>>) src(%dma_wait3A_209 : memref<10240x128xf32, #tpu.memory_space<hbm>>) dst(%arg10 : memref<125x128xf32, #tpu.memory_space<vmem>>)
      %run_scoped3A_210 = arith.constant 0 : i32
      "tpu.region"() ({
        %run_scoped3A_316 = tpu.sem_alloc : memref<!tpu.dma_semaphore, #tpu.memory_space<semaphore_mem>>
        %dma_start3A_317 = arith.constant 0 : i32
        %dma_start3A_318 = tpu.memref_slice %arg9[%run_scoped3A_210, %dma_start3A_317] : memref<8x125xi32, #tpu.memory_space<vmem>> -> memref<1x125xi32, #tpu.memory_space<vmem>>
        %dma_start3A_319 = tpu.memref_squeeze %dma_start3A_318 : memref<1x125xi32, #tpu.memory_space<vmem>> -> memref<125xi32, #tpu.memory_space<vmem>>
        %dma_start3A_320 = arith.constant 0 : i32
        %dma_start3A_321 = arith.constant 0 : i32
        %dma_start3A_322 = tpu.memref_slice %arg12[%dma_start3A_320, %dma_start3A_321] : memref<10240x128xf32, #tpu.memory_space<vmem_shared>> -> memref<10240x128xf32, #tpu.memory_space<vmem_shared>>
        tpu.enqueue_indirect_dma source(%arg10 : memref<125x128xf32, #tpu.memory_space<vmem>>) target(%dma_start3A_322 : memref<10240x128xf32, #tpu.memory_space<vmem_shared>>) offsets(%dma_start3A_319 : memref<125xi32, #tpu.memory_space<vmem>>) semaphore(%run_scoped3A_316 : memref<!tpu.dma_semaphore, #tpu.memory_space<semaphore_mem>>) {add = true}
        %dma_wait3A_323 = arith.constant 0 : i32
        %dma_wait3A_324 = tpu.memref_slice %arg9[%run_scoped3A_210, %dma_wait3A_323] : memref<8x125xi32, #tpu.memory_space<vmem>> -> memref<1x125xi32, #tpu.memory_space<vmem>>
        %dma_wait3A_325 = tpu.memref_squeeze %dma_wait3A_324 : memref<1x125xi32, #tpu.memory_space<vmem>> -> memref<125xi32, #tpu.memory_space<vmem>>
        %dma_wait3A_326 = arith.constant 0 : i32
        %dma_wait3A_327 = arith.constant 0 : i32
        %dma_wait3A_328 = tpu.memref_slice %arg12[%dma_wait3A_326, %dma_wait3A_327] : memref<10240x128xf32, #tpu.memory_space<vmem_shared>> -> memref<10240x128xf32, #tpu.memory_space<vmem_shared>>
        tpu.wait_indirect_dma semaphore(%run_scoped3A_316 : memref<!tpu.dma_semaphore, #tpu.memory_space<semaphore_mem>>) src(%arg10 : memref<125x128xf32, #tpu.memory_space<vmem>>) dst(%dma_wait3A_328 : memref<10240x128xf32, #tpu.memory_space<vmem_shared>>)
        tpu.yield
      }) : () -> ()
      %dma_start3A_211 = arith.constant 2 : i32
      %dma_start3A_212 = arith.constant 0 : i32
      %dma_start3A_213 = tpu.memref_slice %arg8[%dma_start3A_211, %dma_start3A_212] : memref<8x125xi32, #tpu.memory_space<vmem>> -> memref<1x125xi32, #tpu.memory_space<vmem>>
      %dma_start3A_214 = tpu.memref_squeeze %dma_start3A_213 : memref<1x125xi32, #tpu.memory_space<vmem>> -> memref<125xi32, #tpu.memory_space<vmem>>
      %dma_start3A_215 = arith.constant 0 : i32
      %dma_start3A_216 = arith.constant 0 : i32
      %dma_start3A_217 = tpu.memref_slice %arg2[%dma_start3A_215, %dma_start3A_216] : memref<10240x128xf32, #tpu.memory_space<hbm>> -> memref<10240x128xf32, #tpu.memory_space<hbm>>
      tpu.enqueue_indirect_dma source(%dma_start3A_217 : memref<10240x128xf32, #tpu.memory_space<hbm>>) target(%arg10 : memref<125x128xf32, #tpu.memory_space<vmem>>) offsets(%dma_start3A_214 : memref<125xi32, #tpu.memory_space<vmem>>) semaphore(%arg13 : memref<!tpu.dma_semaphore, #tpu.memory_space<semaphore_mem>>)
      %dma_wait3A_218 = arith.constant 1 : i32
      %dma_wait3A_219 = arith.constant 0 : i32
      %dma_wait3A_220 = tpu.memref_slice %arg8[%dma_wait3A_218, %dma_wait3A_219] : memref<8x125xi32, #tpu.memory_space<vmem>> -> memref<1x125xi32, #tpu.memory_space<vmem>>
      %dma_wait3A_221 = tpu.memref_squeeze %dma_wait3A_220 : memref<1x125xi32, #tpu.memory_space<vmem>> -> memref<125xi32, #tpu.memory_space<vmem>>
      %dma_wait3A_222 = arith.constant 0 : i32
      %dma_wait3A_223 = arith.constant 0 : i32
      %dma_wait3A_224 = tpu.memref_slice %arg2[%dma_wait3A_222, %dma_wait3A_223] : memref<10240x128xf32, #tpu.memory_space<hbm>> -> memref<10240x128xf32, #tpu.memory_space<hbm>>
      tpu.wait_indirect_dma semaphore(%arg14 : memref<!tpu.dma_semaphore, #tpu.memory_space<semaphore_mem>>) src(%dma_wait3A_224 : memref<10240x128xf32, #tpu.memory_space<hbm>>) dst(%arg11 : memref<125x128xf32, #tpu.memory_space<vmem>>)
      %run_scoped3A_225 = arith.constant 1 : i32
      "tpu.region"() ({
        %run_scoped3A_316 = tpu.sem_alloc : memref<!tpu.dma_semaphore, #tpu.memory_space<semaphore_mem>>
        %dma_start3A_317 = arith.constant 0 : i32
        %dma_start3A_318 = tpu.memref_slice %arg9[%run_scoped3A_225, %dma_start3A_317] : memref<8x125xi32, #tpu.memory_space<vmem>> -> memref<1x125xi32, #tpu.memory_space<vmem>>
        %dma_start3A_319 = tpu.memref_squeeze %dma_start3A_318 : memref<1x125xi32, #tpu.memory_space<vmem>> -> memref<125xi32, #tpu.memory_space<vmem>>
        %dma_start3A_320 = arith.constant 0 : i32
        %dma_start3A_321 = arith.constant 0 : i32
        %dma_start3A_322 = tpu.memref_slice %arg12[%dma_start3A_320, %dma_start3A_321] : memref<10240x128xf32, #tpu.memory_space<vmem_shared>> -> memref<10240x128xf32, #tpu.memory_space<vmem_shared>>
        tpu.enqueue_indirect_dma source(%arg11 : memref<125x128xf32, #tpu.memory_space<vmem>>) target(%dma_start3A_322 : memref<10240x128xf32, #tpu.memory_space<vmem_shared>>) offsets(%dma_start3A_319 : memref<125xi32, #tpu.memory_space<vmem>>) semaphore(%run_scoped3A_316 : memref<!tpu.dma_semaphore, #tpu.memory_space<semaphore_mem>>) {add = true}
        %dma_wait3A_323 = arith.constant 0 : i32
        %dma_wait3A_324 = tpu.memref_slice %arg9[%run_scoped3A_225, %dma_wait3A_323] : memref<8x125xi32, #tpu.memory_space<vmem>> -> memref<1x125xi32, #tpu.memory_space<vmem>>
        %dma_wait3A_325 = tpu.memref_squeeze %dma_wait3A_324 : memref<1x125xi32, #tpu.memory_space<vmem>> -> memref<125xi32, #tpu.memory_space<vmem>>
        %dma_wait3A_326 = arith.constant 0 : i32
        %dma_wait3A_327 = arith.constant 0 : i32
        %dma_wait3A_328 = tpu.memref_slice %arg12[%dma_wait3A_326, %dma_wait3A_327] : memref<10240x128xf32, #tpu.memory_space<vmem_shared>> -> memref<10240x128xf32, #tpu.memory_space<vmem_shared>>
        tpu.wait_indirect_dma semaphore(%run_scoped3A_316 : memref<!tpu.dma_semaphore, #tpu.memory_space<semaphore_mem>>) src(%arg11 : memref<125x128xf32, #tpu.memory_space<vmem>>) dst(%dma_wait3A_328 : memref<10240x128xf32, #tpu.memory_space<vmem_shared>>)
        tpu.yield
      }) : () -> ()
      %dma_start3A_226 = arith.constant 3 : i32
      %dma_start3A_227 = arith.constant 0 : i32
      %dma_start3A_228 = tpu.memref_slice %arg8[%dma_start3A_226, %dma_start3A_227] : memref<8x125xi32, #tpu.memory_space<vmem>> -> memref<1x125xi32, #tpu.memory_space<vmem>>
      %dma_start3A_229 = tpu.memref_squeeze %dma_start3A_228 : memref<1x125xi32, #tpu.memory_space<vmem>> -> memref<125xi32, #tpu.memory_space<vmem>>
      %dma_start3A_230 = arith.constant 0 : i32
      %dma_start3A_231 = arith.constant 0 : i32
      %dma_start3A_232 = tpu.memref_slice %arg2[%dma_start3A_230, %dma_start3A_231] : memref<10240x128xf32, #tpu.memory_space<hbm>> -> memref<10240x128xf32, #tpu.memory_space<hbm>>
      tpu.enqueue_indirect_dma source(%dma_start3A_232 : memref<10240x128xf32, #tpu.memory_space<hbm>>) target(%arg11 : memref<125x128xf32, #tpu.memory_space<vmem>>) offsets(%dma_start3A_229 : memref<125xi32, #tpu.memory_space<vmem>>) semaphore(%arg14 : memref<!tpu.dma_semaphore, #tpu.memory_space<semaphore_mem>>)
      %dma_wait3A_233 = arith.constant 2 : i32
      %dma_wait3A_234 = arith.constant 0 : i32
      %dma_wait3A_235 = tpu.memref_slice %arg8[%dma_wait3A_233, %dma_wait3A_234] : memref<8x125xi32, #tpu.memory_space<vmem>> -> memref<1x125xi32, #tpu.memory_space<vmem>>
      %dma_wait3A_236 = tpu.memref_squeeze %dma_wait3A_235 : memref<1x125xi32, #tpu.memory_space<vmem>> -> memref<125xi32, #tpu.memory_space<vmem>>
      %dma_wait3A_237 = arith.constant 0 : i32
      %dma_wait3A_238 = arith.constant 0 : i32
      %dma_wait3A_239 = tpu.memref_slice %arg2[%dma_wait3A_237, %dma_wait3A_238] : memref<10240x128xf32, #tpu.memory_space<hbm>> -> memref<10240x128xf32, #tpu.memory_space<hbm>>
      tpu.wait_indirect_dma semaphore(%arg13 : memref<!tpu.dma_semaphore, #tpu.memory_space<semaphore_mem>>) src(%dma_wait3A_239 : memref<10240x128xf32, #tpu.memory_space<hbm>>) dst(%arg10 : memref<125x128xf32, #tpu.memory_space<vmem>>)
      %run_scoped3A_240 = arith.constant 2 : i32
      "tpu.region"() ({
        %run_scoped3A_316 = tpu.sem_alloc : memref<!tpu.dma_semaphore, #tpu.memory_space<semaphore_mem>>
        %dma_start3A_317 = arith.constant 0 : i32
        %dma_start3A_318 = tpu.memref_slice %arg9[%run_scoped3A_240, %dma_start3A_317] : memref<8x125xi32, #tpu.memory_space<vmem>> -> memref<1x125xi32, #tpu.memory_space<vmem>>
        %dma_start3A_319 = tpu.memref_squeeze %dma_start3A_318 : memref<1x125xi32, #tpu.memory_space<vmem>> -> memref<125xi32, #tpu.memory_space<vmem>>
        %dma_start3A_320 = arith.constant 0 : i32
        %dma_start3A_321 = arith.constant 0 : i32
        %dma_start3A_322 = tpu.memref_slice %arg12[%dma_start3A_320, %dma_start3A_321] : memref<10240x128xf32, #tpu.memory_space<vmem_shared>> -> memref<10240x128xf32, #tpu.memory_space<vmem_shared>>
        tpu.enqueue_indirect_dma source(%arg10 : memref<125x128xf32, #tpu.memory_space<vmem>>) target(%dma_start3A_322 : memref<10240x128xf32, #tpu.memory_space<vmem_shared>>) offsets(%dma_start3A_319 : memref<125xi32, #tpu.memory_space<vmem>>) semaphore(%run_scoped3A_316 : memref<!tpu.dma_semaphore, #tpu.memory_space<semaphore_mem>>) {add = true}
        %dma_wait3A_323 = arith.constant 0 : i32
        %dma_wait3A_324 = tpu.memref_slice %arg9[%run_scoped3A_240, %dma_wait3A_323] : memref<8x125xi32, #tpu.memory_space<vmem>> -> memref<1x125xi32, #tpu.memory_space<vmem>>
        %dma_wait3A_325 = tpu.memref_squeeze %dma_wait3A_324 : memref<1x125xi32, #tpu.memory_space<vmem>> -> memref<125xi32, #tpu.memory_space<vmem>>
        %dma_wait3A_326 = arith.constant 0 : i32
        %dma_wait3A_327 = arith.constant 0 : i32
        %dma_wait3A_328 = tpu.memref_slice %arg12[%dma_wait3A_326, %dma_wait3A_327] : memref<10240x128xf32, #tpu.memory_space<vmem_shared>> -> memref<10240x128xf32, #tpu.memory_space<vmem_shared>>
        tpu.wait_indirect_dma semaphore(%run_scoped3A_316 : memref<!tpu.dma_semaphore, #tpu.memory_space<semaphore_mem>>) src(%arg10 : memref<125x128xf32, #tpu.memory_space<vmem>>) dst(%dma_wait3A_328 : memref<10240x128xf32, #tpu.memory_space<vmem_shared>>)
        tpu.yield
      }) : () -> ()
      %dma_start3A_241 = arith.constant 4 : i32
      %dma_start3A_242 = arith.constant 0 : i32
      %dma_start3A_243 = tpu.memref_slice %arg8[%dma_start3A_241, %dma_start3A_242] : memref<8x125xi32, #tpu.memory_space<vmem>> -> memref<1x125xi32, #tpu.memory_space<vmem>>
      %dma_start3A_244 = tpu.memref_squeeze %dma_start3A_243 : memref<1x125xi32, #tpu.memory_space<vmem>> -> memref<125xi32, #tpu.memory_space<vmem>>
      %dma_start3A_245 = arith.constant 0 : i32
      %dma_start3A_246 = arith.constant 0 : i32
      %dma_start3A_247 = tpu.memref_slice %arg2[%dma_start3A_245, %dma_start3A_246] : memref<10240x128xf32, #tpu.memory_space<hbm>> -> memref<10240x128xf32, #tpu.memory_space<hbm>>
      tpu.enqueue_indirect_dma source(%dma_start3A_247 : memref<10240x128xf32, #tpu.memory_space<hbm>>) target(%arg10 : memref<125x128xf32, #tpu.memory_space<vmem>>) offsets(%dma_start3A_244 : memref<125xi32, #tpu.memory_space<vmem>>) semaphore(%arg13 : memref<!tpu.dma_semaphore, #tpu.memory_space<semaphore_mem>>)
      %dma_wait3A_248 = arith.constant 3 : i32
      %dma_wait3A_249 = arith.constant 0 : i32
      %dma_wait3A_250 = tpu.memref_slice %arg8[%dma_wait3A_248, %dma_wait3A_249] : memref<8x125xi32, #tpu.memory_space<vmem>> -> memref<1x125xi32, #tpu.memory_space<vmem>>
      %dma_wait3A_251 = tpu.memref_squeeze %dma_wait3A_250 : memref<1x125xi32, #tpu.memory_space<vmem>> -> memref<125xi32, #tpu.memory_space<vmem>>
      %dma_wait3A_252 = arith.constant 0 : i32
      %dma_wait3A_253 = arith.constant 0 : i32
      %dma_wait3A_254 = tpu.memref_slice %arg2[%dma_wait3A_252, %dma_wait3A_253] : memref<10240x128xf32, #tpu.memory_space<hbm>> -> memref<10240x128xf32, #tpu.memory_space<hbm>>
      tpu.wait_indirect_dma semaphore(%arg14 : memref<!tpu.dma_semaphore, #tpu.memory_space<semaphore_mem>>) src(%dma_wait3A_254 : memref<10240x128xf32, #tpu.memory_space<hbm>>) dst(%arg11 : memref<125x128xf32, #tpu.memory_space<vmem>>)
      %run_scoped3A_255 = arith.constant 3 : i32
      "tpu.region"() ({
        %run_scoped3A_316 = tpu.sem_alloc : memref<!tpu.dma_semaphore, #tpu.memory_space<semaphore_mem>>
        %dma_start3A_317 = arith.constant 0 : i32
        %dma_start3A_318 = tpu.memref_slice %arg9[%run_scoped3A_255, %dma_start3A_317] : memref<8x125xi32, #tpu.memory_space<vmem>> -> memref<1x125xi32, #tpu.memory_space<vmem>>
        %dma_start3A_319 = tpu.memref_squeeze %dma_start3A_318 : memref<1x125xi32, #tpu.memory_space<vmem>> -> memref<125xi32, #tpu.memory_space<vmem>>
        %dma_start3A_320 = arith.constant 0 : i32
        %dma_start3A_321 = arith.constant 0 : i32
        %dma_start3A_322 = tpu.memref_slice %arg12[%dma_start3A_320, %dma_start3A_321] : memref<10240x128xf32, #tpu.memory_space<vmem_shared>> -> memref<10240x128xf32, #tpu.memory_space<vmem_shared>>
        tpu.enqueue_indirect_dma source(%arg11 : memref<125x128xf32, #tpu.memory_space<vmem>>) target(%dma_start3A_322 : memref<10240x128xf32, #tpu.memory_space<vmem_shared>>) offsets(%dma_start3A_319 : memref<125xi32, #tpu.memory_space<vmem>>) semaphore(%run_scoped3A_316 : memref<!tpu.dma_semaphore, #tpu.memory_space<semaphore_mem>>) {add = true}
        %dma_wait3A_323 = arith.constant 0 : i32
        %dma_wait3A_324 = tpu.memref_slice %arg9[%run_scoped3A_255, %dma_wait3A_323] : memref<8x125xi32, #tpu.memory_space<vmem>> -> memref<1x125xi32, #tpu.memory_space<vmem>>
        %dma_wait3A_325 = tpu.memref_squeeze %dma_wait3A_324 : memref<1x125xi32, #tpu.memory_space<vmem>> -> memref<125xi32, #tpu.memory_space<vmem>>
        %dma_wait3A_326 = arith.constant 0 : i32
        %dma_wait3A_327 = arith.constant 0 : i32
        %dma_wait3A_328 = tpu.memref_slice %arg12[%dma_wait3A_326, %dma_wait3A_327] : memref<10240x128xf32, #tpu.memory_space<vmem_shared>> -> memref<10240x128xf32, #tpu.memory_space<vmem_shared>>
        tpu.wait_indirect_dma semaphore(%run_scoped3A_316 : memref<!tpu.dma_semaphore, #tpu.memory_space<semaphore_mem>>) src(%arg11 : memref<125x128xf32, #tpu.memory_space<vmem>>) dst(%dma_wait3A_328 : memref<10240x128xf32, #tpu.memory_space<vmem_shared>>)
        tpu.yield
      }) : () -> ()
      %dma_start3A_256 = arith.constant 5 : i32
      %dma_start3A_257 = arith.constant 0 : i32
      %dma_start3A_258 = tpu.memref_slice %arg8[%dma_start3A_256, %dma_start3A_257] : memref<8x125xi32, #tpu.memory_space<vmem>> -> memref<1x125xi32, #tpu.memory_space<vmem>>
      %dma_start3A_259 = tpu.memref_squeeze %dma_start3A_258 : memref<1x125xi32, #tpu.memory_space<vmem>> -> memref<125xi32, #tpu.memory_space<vmem>>
      %dma_start3A_260 = arith.constant 0 : i32
      %dma_start3A_261 = arith.constant 0 : i32
      %dma_start3A_262 = tpu.memref_slice %arg2[%dma_start3A_260, %dma_start3A_261] : memref<10240x128xf32, #tpu.memory_space<hbm>> -> memref<10240x128xf32, #tpu.memory_space<hbm>>
      tpu.enqueue_indirect_dma source(%dma_start3A_262 : memref<10240x128xf32, #tpu.memory_space<hbm>>) target(%arg11 : memref<125x128xf32, #tpu.memory_space<vmem>>) offsets(%dma_start3A_259 : memref<125xi32, #tpu.memory_space<vmem>>) semaphore(%arg14 : memref<!tpu.dma_semaphore, #tpu.memory_space<semaphore_mem>>)
      %dma_wait3A_263 = arith.constant 4 : i32
      %dma_wait3A_264 = arith.constant 0 : i32
      %dma_wait3A_265 = tpu.memref_slice %arg8[%dma_wait3A_263, %dma_wait3A_264] : memref<8x125xi32, #tpu.memory_space<vmem>> -> memref<1x125xi32, #tpu.memory_space<vmem>>
      %dma_wait3A_266 = tpu.memref_squeeze %dma_wait3A_265 : memref<1x125xi32, #tpu.memory_space<vmem>> -> memref<125xi32, #tpu.memory_space<vmem>>
      %dma_wait3A_267 = arith.constant 0 : i32
      %dma_wait3A_268 = arith.constant 0 : i32
      %dma_wait3A_269 = tpu.memref_slice %arg2[%dma_wait3A_267, %dma_wait3A_268] : memref<10240x128xf32, #tpu.memory_space<hbm>> -> memref<10240x128xf32, #tpu.memory_space<hbm>>
      tpu.wait_indirect_dma semaphore(%arg13 : memref<!tpu.dma_semaphore, #tpu.memory_space<semaphore_mem>>) src(%dma_wait3A_269 : memref<10240x128xf32, #tpu.memory_space<hbm>>) dst(%arg10 : memref<125x128xf32, #tpu.memory_space<vmem>>)
      %run_scoped3A_270 = arith.constant 4 : i32
      "tpu.region"() ({
        %run_scoped3A_316 = tpu.sem_alloc : memref<!tpu.dma_semaphore, #tpu.memory_space<semaphore_mem>>
        %dma_start3A_317 = arith.constant 0 : i32
        %dma_start3A_318 = tpu.memref_slice %arg9[%run_scoped3A_270, %dma_start3A_317] : memref<8x125xi32, #tpu.memory_space<vmem>> -> memref<1x125xi32, #tpu.memory_space<vmem>>
        %dma_start3A_319 = tpu.memref_squeeze %dma_start3A_318 : memref<1x125xi32, #tpu.memory_space<vmem>> -> memref<125xi32, #tpu.memory_space<vmem>>
        %dma_start3A_320 = arith.constant 0 : i32
        %dma_start3A_321 = arith.constant 0 : i32
        %dma_start3A_322 = tpu.memref_slice %arg12[%dma_start3A_320, %dma_start3A_321] : memref<10240x128xf32, #tpu.memory_space<vmem_shared>> -> memref<10240x128xf32, #tpu.memory_space<vmem_shared>>
        tpu.enqueue_indirect_dma source(%arg10 : memref<125x128xf32, #tpu.memory_space<vmem>>) target(%dma_start3A_322 : memref<10240x128xf32, #tpu.memory_space<vmem_shared>>) offsets(%dma_start3A_319 : memref<125xi32, #tpu.memory_space<vmem>>) semaphore(%run_scoped3A_316 : memref<!tpu.dma_semaphore, #tpu.memory_space<semaphore_mem>>) {add = true}
        %dma_wait3A_323 = arith.constant 0 : i32
        %dma_wait3A_324 = tpu.memref_slice %arg9[%run_scoped3A_270, %dma_wait3A_323] : memref<8x125xi32, #tpu.memory_space<vmem>> -> memref<1x125xi32, #tpu.memory_space<vmem>>
        %dma_wait3A_325 = tpu.memref_squeeze %dma_wait3A_324 : memref<1x125xi32, #tpu.memory_space<vmem>> -> memref<125xi32, #tpu.memory_space<vmem>>
        %dma_wait3A_326 = arith.constant 0 : i32
        %dma_wait3A_327 = arith.constant 0 : i32
        %dma_wait3A_328 = tpu.memref_slice %arg12[%dma_wait3A_326, %dma_wait3A_327] : memref<10240x128xf32, #tpu.memory_space<vmem_shared>> -> memref<10240x128xf32, #tpu.memory_space<vmem_shared>>
        tpu.wait_indirect_dma semaphore(%run_scoped3A_316 : memref<!tpu.dma_semaphore, #tpu.memory_space<semaphore_mem>>) src(%arg10 : memref<125x128xf32, #tpu.memory_space<vmem>>) dst(%dma_wait3A_328 : memref<10240x128xf32, #tpu.memory_space<vmem_shared>>)
        tpu.yield
      }) : () -> ()
      %dma_start3A_271 = arith.constant 6 : i32
      %dma_start3A_272 = arith.constant 0 : i32
      %dma_start3A_273 = tpu.memref_slice %arg8[%dma_start3A_271, %dma_start3A_272] : memref<8x125xi32, #tpu.memory_space<vmem>> -> memref<1x125xi32, #tpu.memory_space<vmem>>
      %dma_start3A_274 = tpu.memref_squeeze %dma_start3A_273 : memref<1x125xi32, #tpu.memory_space<vmem>> -> memref<125xi32, #tpu.memory_space<vmem>>
      %dma_start3A_275 = arith.constant 0 : i32
      %dma_start3A_276 = arith.constant 0 : i32
      %dma_start3A_277 = tpu.memref_slice %arg2[%dma_start3A_275, %dma_start3A_276] : memref<10240x128xf32, #tpu.memory_space<hbm>> -> memref<10240x128xf32, #tpu.memory_space<hbm>>
      tpu.enqueue_indirect_dma source(%dma_start3A_277 : memref<10240x128xf32, #tpu.memory_space<hbm>>) target(%arg10 : memref<125x128xf32, #tpu.memory_space<vmem>>) offsets(%dma_start3A_274 : memref<125xi32, #tpu.memory_space<vmem>>) semaphore(%arg13 : memref<!tpu.dma_semaphore, #tpu.memory_space<semaphore_mem>>)
      %dma_wait3A_278 = arith.constant 5 : i32
      %dma_wait3A_279 = arith.constant 0 : i32
      %dma_wait3A_280 = tpu.memref_slice %arg8[%dma_wait3A_278, %dma_wait3A_279] : memref<8x125xi32, #tpu.memory_space<vmem>> -> memref<1x125xi32, #tpu.memory_space<vmem>>
      %dma_wait3A_281 = tpu.memref_squeeze %dma_wait3A_280 : memref<1x125xi32, #tpu.memory_space<vmem>> -> memref<125xi32, #tpu.memory_space<vmem>>
      %dma_wait3A_282 = arith.constant 0 : i32
      %dma_wait3A_283 = arith.constant 0 : i32
      %dma_wait3A_284 = tpu.memref_slice %arg2[%dma_wait3A_282, %dma_wait3A_283] : memref<10240x128xf32, #tpu.memory_space<hbm>> -> memref<10240x128xf32, #tpu.memory_space<hbm>>
      tpu.wait_indirect_dma semaphore(%arg14 : memref<!tpu.dma_semaphore, #tpu.memory_space<semaphore_mem>>) src(%dma_wait3A_284 : memref<10240x128xf32, #tpu.memory_space<hbm>>) dst(%arg11 : memref<125x128xf32, #tpu.memory_space<vmem>>)
      %run_scoped3A_285 = arith.constant 5 : i32
      "tpu.region"() ({
        %run_scoped3A_316 = tpu.sem_alloc : memref<!tpu.dma_semaphore, #tpu.memory_space<semaphore_mem>>
        %dma_start3A_317 = arith.constant 0 : i32
        %dma_start3A_318 = tpu.memref_slice %arg9[%run_scoped3A_285, %dma_start3A_317] : memref<8x125xi32, #tpu.memory_space<vmem>> -> memref<1x125xi32, #tpu.memory_space<vmem>>
        %dma_start3A_319 = tpu.memref_squeeze %dma_start3A_318 : memref<1x125xi32, #tpu.memory_space<vmem>> -> memref<125xi32, #tpu.memory_space<vmem>>
        %dma_start3A_320 = arith.constant 0 : i32
        %dma_start3A_321 = arith.constant 0 : i32
        %dma_start3A_322 = tpu.memref_slice %arg12[%dma_start3A_320, %dma_start3A_321] : memref<10240x128xf32, #tpu.memory_space<vmem_shared>> -> memref<10240x128xf32, #tpu.memory_space<vmem_shared>>
        tpu.enqueue_indirect_dma source(%arg11 : memref<125x128xf32, #tpu.memory_space<vmem>>) target(%dma_start3A_322 : memref<10240x128xf32, #tpu.memory_space<vmem_shared>>) offsets(%dma_start3A_319 : memref<125xi32, #tpu.memory_space<vmem>>) semaphore(%run_scoped3A_316 : memref<!tpu.dma_semaphore, #tpu.memory_space<semaphore_mem>>) {add = true}
        %dma_wait3A_323 = arith.constant 0 : i32
        %dma_wait3A_324 = tpu.memref_slice %arg9[%run_scoped3A_285, %dma_wait3A_323] : memref<8x125xi32, #tpu.memory_space<vmem>> -> memref<1x125xi32, #tpu.memory_space<vmem>>
        %dma_wait3A_325 = tpu.memref_squeeze %dma_wait3A_324 : memref<1x125xi32, #tpu.memory_space<vmem>> -> memref<125xi32, #tpu.memory_space<vmem>>
        %dma_wait3A_326 = arith.constant 0 : i32
        %dma_wait3A_327 = arith.constant 0 : i32
        %dma_wait3A_328 = tpu.memref_slice %arg12[%dma_wait3A_326, %dma_wait3A_327] : memref<10240x128xf32, #tpu.memory_space<vmem_shared>> -> memref<10240x128xf32, #tpu.memory_space<vmem_shared>>
        tpu.wait_indirect_dma semaphore(%run_scoped3A_316 : memref<!tpu.dma_semaphore, #tpu.memory_space<semaphore_mem>>) src(%arg11 : memref<125x128xf32, #tpu.memory_space<vmem>>) dst(%dma_wait3A_328 : memref<10240x128xf32, #tpu.memory_space<vmem_shared>>)
        tpu.yield
      }) : () -> ()
      %dma_start3A_286 = arith.constant 7 : i32
      %dma_start3A_287 = arith.constant 0 : i32
      %dma_start3A_288 = tpu.memref_slice %arg8[%dma_start3A_286, %dma_start3A_287] : memref<8x125xi32, #tpu.memory_space<vmem>> -> memref<1x125xi32, #tpu.memory_space<vmem>>
      %dma_start3A_289 = tpu.memref_squeeze %dma_start3A_288 : memref<1x125xi32, #tpu.memory_space<vmem>> -> memref<125xi32, #tpu.memory_space<vmem>>
      %dma_start3A_290 = arith.constant 0 : i32
      %dma_start3A_291 = arith.constant 0 : i32
      %dma_start3A_292 = tpu.memref_slice %arg2[%dma_start3A_290, %dma_start3A_291] : memref<10240x128xf32, #tpu.memory_space<hbm>> -> memref<10240x128xf32, #tpu.memory_space<hbm>>
      tpu.enqueue_indirect_dma source(%dma_start3A_292 : memref<10240x128xf32, #tpu.memory_space<hbm>>) target(%arg11 : memref<125x128xf32, #tpu.memory_space<vmem>>) offsets(%dma_start3A_289 : memref<125xi32, #tpu.memory_space<vmem>>) semaphore(%arg14 : memref<!tpu.dma_semaphore, #tpu.memory_space<semaphore_mem>>)
      %dma_wait3A_293 = arith.constant 6 : i32
      %dma_wait3A_294 = arith.constant 0 : i32
      %dma_wait3A_295 = tpu.memref_slice %arg8[%dma_wait3A_293, %dma_wait3A_294] : memref<8x125xi32, #tpu.memory_space<vmem>> -> memref<1x125xi32, #tpu.memory_space<vmem>>
      %dma_wait3A_296 = tpu.memref_squeeze %dma_wait3A_295 : memref<1x125xi32, #tpu.memory_space<vmem>> -> memref<125xi32, #tpu.memory_space<vmem>>
      %dma_wait3A_297 = arith.constant 0 : i32
      %dma_wait3A_298 = arith.constant 0 : i32
      %dma_wait3A_299 = tpu.memref_slice %arg2[%dma_wait3A_297, %dma_wait3A_298] : memref<10240x128xf32, #tpu.memory_space<hbm>> -> memref<10240x128xf32, #tpu.memory_space<hbm>>
      tpu.wait_indirect_dma semaphore(%arg13 : memref<!tpu.dma_semaphore, #tpu.memory_space<semaphore_mem>>) src(%dma_wait3A_299 : memref<10240x128xf32, #tpu.memory_space<hbm>>) dst(%arg10 : memref<125x128xf32, #tpu.memory_space<vmem>>)
      %run_scoped3A_300 = arith.constant 6 : i32
      "tpu.region"() ({
        %run_scoped3A_316 = tpu.sem_alloc : memref<!tpu.dma_semaphore, #tpu.memory_space<semaphore_mem>>
        %dma_start3A_317 = arith.constant 0 : i32
        %dma_start3A_318 = tpu.memref_slice %arg9[%run_scoped3A_300, %dma_start3A_317] : memref<8x125xi32, #tpu.memory_space<vmem>> -> memref<1x125xi32, #tpu.memory_space<vmem>>
        %dma_start3A_319 = tpu.memref_squeeze %dma_start3A_318 : memref<1x125xi32, #tpu.memory_space<vmem>> -> memref<125xi32, #tpu.memory_space<vmem>>
        %dma_start3A_320 = arith.constant 0 : i32
        %dma_start3A_321 = arith.constant 0 : i32
        %dma_start3A_322 = tpu.memref_slice %arg12[%dma_start3A_320, %dma_start3A_321] : memref<10240x128xf32, #tpu.memory_space<vmem_shared>> -> memref<10240x128xf32, #tpu.memory_space<vmem_shared>>
        tpu.enqueue_indirect_dma source(%arg10 : memref<125x128xf32, #tpu.memory_space<vmem>>) target(%dma_start3A_322 : memref<10240x128xf32, #tpu.memory_space<vmem_shared>>) offsets(%dma_start3A_319 : memref<125xi32, #tpu.memory_space<vmem>>) semaphore(%run_scoped3A_316 : memref<!tpu.dma_semaphore, #tpu.memory_space<semaphore_mem>>) {add = true}
        %dma_wait3A_323 = arith.constant 0 : i32
        %dma_wait3A_324 = tpu.memref_slice %arg9[%run_scoped3A_300, %dma_wait3A_323] : memref<8x125xi32, #tpu.memory_space<vmem>> -> memref<1x125xi32, #tpu.memory_space<vmem>>
        %dma_wait3A_325 = tpu.memref_squeeze %dma_wait3A_324 : memref<1x125xi32, #tpu.memory_space<vmem>> -> memref<125xi32, #tpu.memory_space<vmem>>
        %dma_wait3A_326 = arith.constant 0 : i32
        %dma_wait3A_327 = arith.constant 0 : i32
        %dma_wait3A_328 = tpu.memref_slice %arg12[%dma_wait3A_326, %dma_wait3A_327] : memref<10240x128xf32, #tpu.memory_space<vmem_shared>> -> memref<10240x128xf32, #tpu.memory_space<vmem_shared>>
        tpu.wait_indirect_dma semaphore(%run_scoped3A_316 : memref<!tpu.dma_semaphore, #tpu.memory_space<semaphore_mem>>) src(%arg10 : memref<125x128xf32, #tpu.memory_space<vmem>>) dst(%dma_wait3A_328 : memref<10240x128xf32, #tpu.memory_space<vmem_shared>>)
        tpu.yield
      }) : () -> ()
      %dma_wait3A_301 = arith.constant 7 : i32
      %dma_wait3A_302 = arith.constant 0 : i32
      %dma_wait3A_303 = tpu.memref_slice %arg8[%dma_wait3A_301, %dma_wait3A_302] : memref<8x125xi32, #tpu.memory_space<vmem>> -> memref<1x125xi32, #tpu.memory_space<vmem>>
      %dma_wait3A_304 = tpu.memref_squeeze %dma_wait3A_303 : memref<1x125xi32, #tpu.memory_space<vmem>> -> memref<125xi32, #tpu.memory_space<vmem>>
      %dma_wait3A_305 = arith.constant 0 : i32
      %dma_wait3A_306 = arith.constant 0 : i32
      %dma_wait3A_307 = tpu.memref_slice %arg2[%dma_wait3A_305, %dma_wait3A_306] : memref<10240x128xf32, #tpu.memory_space<hbm>> -> memref<10240x128xf32, #tpu.memory_space<hbm>>
      tpu.wait_indirect_dma semaphore(%arg14 : memref<!tpu.dma_semaphore, #tpu.memory_space<semaphore_mem>>) src(%dma_wait3A_307 : memref<10240x128xf32, #tpu.memory_space<hbm>>) dst(%arg11 : memref<125x128xf32, #tpu.memory_space<vmem>>)
      %run_scoped3A_308 = arith.constant 7 : i32
      "tpu.region"() ({
        %run_scoped3A_316 = tpu.sem_alloc : memref<!tpu.dma_semaphore, #tpu.memory_space<semaphore_mem>>
        %dma_start3A_317 = arith.constant 0 : i32
        %dma_start3A_318 = tpu.memref_slice %arg9[%run_scoped3A_308, %dma_start3A_317] : memref<8x125xi32, #tpu.memory_space<vmem>> -> memref<1x125xi32, #tpu.memory_space<vmem>>
        %dma_start3A_319 = tpu.memref_squeeze %dma_start3A_318 : memref<1x125xi32, #tpu.memory_space<vmem>> -> memref<125xi32, #tpu.memory_space<vmem>>
        %dma_start3A_320 = arith.constant 0 : i32
        %dma_start3A_321 = arith.constant 0 : i32
        %dma_start3A_322 = tpu.memref_slice %arg12[%dma_start3A_320, %dma_start3A_321] : memref<10240x128xf32, #tpu.memory_space<vmem_shared>> -> memref<10240x128xf32, #tpu.memory_space<vmem_shared>>
        tpu.enqueue_indirect_dma source(%arg11 : memref<125x128xf32, #tpu.memory_space<vmem>>) target(%dma_start3A_322 : memref<10240x128xf32, #tpu.memory_space<vmem_shared>>) offsets(%dma_start3A_319 : memref<125xi32, #tpu.memory_space<vmem>>) semaphore(%run_scoped3A_316 : memref<!tpu.dma_semaphore, #tpu.memory_space<semaphore_mem>>) {add = true}
        %dma_wait3A_323 = arith.constant 0 : i32
        %dma_wait3A_324 = tpu.memref_slice %arg9[%run_scoped3A_308, %dma_wait3A_323] : memref<8x125xi32, #tpu.memory_space<vmem>> -> memref<1x125xi32, #tpu.memory_space<vmem>>
        %dma_wait3A_325 = tpu.memref_squeeze %dma_wait3A_324 : memref<1x125xi32, #tpu.memory_space<vmem>> -> memref<125xi32, #tpu.memory_space<vmem>>
        %dma_wait3A_326 = arith.constant 0 : i32
        %dma_wait3A_327 = arith.constant 0 : i32
        %dma_wait3A_328 = tpu.memref_slice %arg12[%dma_wait3A_326, %dma_wait3A_327] : memref<10240x128xf32, #tpu.memory_space<vmem_shared>> -> memref<10240x128xf32, #tpu.memory_space<vmem_shared>>
        tpu.wait_indirect_dma semaphore(%run_scoped3A_316 : memref<!tpu.dma_semaphore, #tpu.memory_space<semaphore_mem>>) src(%arg11 : memref<125x128xf32, #tpu.memory_space<vmem>>) dst(%dma_wait3A_328 : memref<10240x128xf32, #tpu.memory_space<vmem_shared>>)
        tpu.yield
      }) : () -> ()
      %add3A_309 = arith.constant 1 : i32
      %add3A_310 = arith.addi %scan3A_21, %add3A_309 : i32
      %lt3A_311 = arith.constant 5 : i32
      %lt3A_312 = arith.cmpi slt, %add3A_310, %lt3A_311 : i32
      %convert_element_type3A_313 = arith.extui %lt3A_312 : i1 to i32
      %cond3A_314 = arith.constant 0 : i32
      %cond3A_315 = arith.cmpi ne, %convert_element_type3A_313, %cond3A_314 : i32
      scf.if %cond3A_315 {
        %dma_wait3A_316 = arith.constant 0 : i32
        %dma_wait3A_317 = arith.constant 0 : i32
        %dma_wait3A_318 = tpu.memref_slice %arg3[%dma_wait3A_316, %add3A_182, %dma_wait3A_317] : memref<2x2560x125xi32, #tpu.memory_space<hbm>> -> memref<1x8x125xi32, #tpu.memory_space<hbm>>
        %dma_wait3A_319 = tpu.memref_squeeze %dma_wait3A_318 : memref<1x8x125xi32, #tpu.memory_space<hbm>> -> memref<8x125xi32, #tpu.memory_space<hbm>>
        %dma_wait3A_320 = arith.constant 0 : i32
        %dma_wait3A_321 = tpu.memref_slice %arg3[%dma_wait3A_316, %add3A_182, %dma_wait3A_320] : memref<2x2560x125xi32, #tpu.memory_space<hbm>> -> memref<1x8x125xi32, #tpu.memory_space<hbm>>
        %dma_wait3A_322 = tpu.memref_squeeze %dma_wait3A_321 : memref<1x8x125xi32, #tpu.memory_space<hbm>> -> memref<8x125xi32, #tpu.memory_space<hbm>>
        tpu.wait_dma2 semaphore(%arg15 : memref<!tpu.dma_semaphore, #tpu.memory_space<semaphore_mem>>) src(%dma_wait3A_322 : memref<8x125xi32, #tpu.memory_space<hbm>>) dst(%arg6 : memref<8x125xi32, #tpu.memory_space<vmem>>)
        %dma_wait3A_323 = arith.constant 1 : i32
        %dma_wait3A_324 = arith.constant 0 : i32
        %dma_wait3A_325 = tpu.memref_slice %arg3[%dma_wait3A_323, %add3A_182, %dma_wait3A_324] : memref<2x2560x125xi32, #tpu.memory_space<hbm>> -> memref<1x8x125xi32, #tpu.memory_space<hbm>>
        %dma_wait3A_326 = tpu.memref_squeeze %dma_wait3A_325 : memref<1x8x125xi32, #tpu.memory_space<hbm>> -> memref<8x125xi32, #tpu.memory_space<hbm>>
        %dma_wait3A_327 = arith.constant 0 : i32
        %dma_wait3A_328 = tpu.memref_slice %arg3[%dma_wait3A_323, %add3A_182, %dma_wait3A_327] : memref<2x2560x125xi32, #tpu.memory_space<hbm>> -> memref<1x8x125xi32, #tpu.memory_space<hbm>>
        %dma_wait3A_329 = tpu.memref_squeeze %dma_wait3A_328 : memref<1x8x125xi32, #tpu.memory_space<hbm>> -> memref<8x125xi32, #tpu.memory_space<hbm>>
        tpu.wait_dma2 semaphore(%arg16 : memref<!tpu.dma_semaphore, #tpu.memory_space<semaphore_mem>>) src(%dma_wait3A_329 : memref<8x125xi32, #tpu.memory_space<hbm>>) dst(%arg7 : memref<8x125xi32, #tpu.memory_space<vmem>>)
      } else {
      }
    }
    %scan3A_15 = arith.constant 5 : i32
    %barrier3A_16 = arith.constant 0 : index
    tpu.barrier barrier_id(%barrier3A_16)
    %mul3A_17 = arith.constant 640 : i32
    %mul3A_18 = arith.muli %arg1, %mul3A_17 : i32
    %mul3A_19 = arith.constant 640 : i32
    %mul3A_20 = arith.muli %arg1, %mul3A_19 : i32
    "tpu.region"() ({
      %run_scoped3A_21 = tpu.sem_alloc : memref<!tpu.dma_semaphore, #tpu.memory_space<semaphore_mem>>
      %dma_start3A = arith.constant 0 : i32
      %dma_start3A_22 = tpu.memref_slice %arg5[%arg0, %mul3A_20, %dma_start3A] : memref<2x10240x128xf32, #tpu.memory_space<hbm>> -> memref<1x640x128xf32, #tpu.memory_space<hbm>>
      %dma_start3A_23 = tpu.memref_squeeze %dma_start3A_22 : memref<1x640x128xf32, #tpu.memory_space<hbm>> -> memref<640x128xf32, #tpu.memory_space<hbm>>
      %dma_start3A_24 = arith.constant 0 : i32
      %dma_start3A_25 = tpu.memref_slice %arg12[%mul3A_18, %dma_start3A_24] : memref<10240x128xf32, #tpu.memory_space<vmem_shared>> -> memref<640x128xf32, #tpu.memory_space<vmem_shared>>
      tpu.enqueue_dma source(%dma_start3A_25 : memref<640x128xf32, #tpu.memory_space<vmem_shared>>) target(%dma_start3A_23 : memref<640x128xf32, #tpu.memory_space<hbm>>) target_semaphore(%run_scoped3A_21 : memref<!tpu.dma_semaphore, #tpu.memory_space<semaphore_mem>>)
      %dma_wait3A = arith.constant 0 : i32
      %dma_wait3A_26 = tpu.memref_slice %arg5[%arg0, %mul3A_20, %dma_wait3A] : memref<2x10240x128xf32, #tpu.memory_space<hbm>> -> memref<1x640x128xf32, #tpu.memory_space<hbm>>
      %dma_wait3A_27 = tpu.memref_squeeze %dma_wait3A_26 : memref<1x640x128xf32, #tpu.memory_space<hbm>> -> memref<640x128xf32, #tpu.memory_space<hbm>>
      %dma_wait3A_28 = arith.constant 0 : i32
      %dma_wait3A_29 = tpu.memref_slice %arg12[%mul3A_18, %dma_wait3A_28] : memref<10240x128xf32, #tpu.memory_space<vmem_shared>> -> memref<640x128xf32, #tpu.memory_space<vmem_shared>>
      tpu.wait_dma2 semaphore(%run_scoped3A_21 : memref<!tpu.dma_semaphore, #tpu.memory_space<semaphore_mem>>) src(%dma_wait3A_29 : memref<640x128xf32, #tpu.memory_space<vmem_shared>>) dst(%dma_wait3A_27 : memref<640x128xf32, #tpu.memory_space<hbm>>)
      tpu.yield
    }) : () -> ()
    return
  }
}

module attributes {stable_mosaic.version = 14 : i64} {
  func.func @_mm_body(%arg0: i32, %arg1: memref<512x128xf32, #tpu.memory_space<vmem>>, %arg2: memref<128x128xf32, #tpu.memory_space<vmem>>, %arg3: memref<512x1xf32, #tpu.memory_space<vmem>>, %arg4: memref<512x1xf32, #tpu.memory_space<vmem>>, %arg5: memref<512x128xf32, #tpu.memory_space<vmem>>, %arg6: memref<512x1xf32, #tpu.memory_space<vmem>>) attributes {dimension_semantics = [#tpu.dimension_semantics<arbitrary>], iteration_bounds = array<i64: 20>, scalar_prefetch = 0 : i64, scratch_operands = 0 : i64, tpu.core_type = #tpu.core_type<tc>, window_params = [{transform_indices = @transform_0, window_bounds = array<i64: 512, 128>}, {pipeline_mode = #tpu.pipeline_mode<synchronous>, transform_indices = @transform_1, window_bounds = array<i64: 128, 128>}, {transform_indices = @transform_2, window_bounds = array<i64: 512, 1>}, {transform_indices = @transform_3, window_bounds = array<i64: 512, 1>}, {transform_indices = @transform_4, window_bounds = array<i64: 512, 128>}, {transform_indices = @transform_5, window_bounds = array<i64: 512, 1>}]} {
    %get3A = arith.constant 0 : index
    %get3A_0 = arith.constant 0 : index
    %get3A_1 = vector.load %arg1[%get3A, %get3A_0] : memref<512x128xf32, #tpu.memory_space<vmem>>, vector<512x128xf32>
    %get3A_2 = arith.constant 0 : index
    %get3A_3 = arith.constant 0 : index
    %get3A_4 = vector.load %arg2[%get3A_2, %get3A_3] : memref<128x128xf32, #tpu.memory_space<vmem>>, vector<128x128xf32>
    %dot_general3A = arith.constant dense<0.000000e+00> : vector<512x128xf32>
    %dot_general3A_5 = tpu.matmul %get3A_1, %get3A_4, %dot_general3A {dimension_numbers = #tpu.dot_dimension_numbers<[1], [0], [0], [1], [0, 0, 1, 1], [], []>, transpose_lhs_hint = false} : vector<512x128xf32>, vector<128x128xf32>, vector<512x128xf32> -> vector<512x128xf32>
    %get3A_6 = arith.constant 0 : index
    %get3A_7 = arith.constant 0 : index
    %get3A_8 = vector.load %arg3[%get3A_6, %get3A_7] : memref<512x1xf32, #tpu.memory_space<vmem>>, vector<512x1xf32>
    %get3A_9 = arith.constant 0 : index
    %get3A_10 = arith.constant 0 : index
    %get3A_11 = vector.load %arg4[%get3A_9, %get3A_10] : memref<512x1xf32, #tpu.memory_space<vmem>>, vector<512x1xf32>
    %add3A = arith.addf %get3A_8, %get3A_11 : vector<512x1xf32>
    %add3A_12 = arith.constant 1.000000e+00 : f32
    %add3A_13 = vector.broadcast %add3A_12 : f32 to vector<512x1xf32>
    %add3A_14 = arith.addf %add3A, %add3A_13 : vector<512x1xf32>
    %rsqrt3A = math.rsqrt %add3A_14 : vector<512x1xf32>
    %mul3A = vector.broadcast %rsqrt3A : vector<512x1xf32> to vector<512x128xf32>
    %mul3A_15 = arith.mulf %dot_general3A_5, %mul3A : vector<512x128xf32>
    %swap3A = arith.constant 0 : index
    %swap3A_16 = arith.constant 0 : index
    %swap3A_17 = vector.load %arg5[%swap3A, %swap3A_16] : memref<512x128xf32, #tpu.memory_space<vmem>>, vector<512x128xf32>
    tpu.vector_store %arg5[%swap3A, %swap3A_16], %mul3A_15 {strides = array<i32>} : memref<512x128xf32, #tpu.memory_space<vmem>>, vector<512x128xf32>,
    %swap3A_18 = arith.constant 0 : index
    %swap3A_19 = arith.constant 0 : index
    %swap3A_20 = vector.load %arg6[%swap3A_18, %swap3A_19] : memref<512x1xf32, #tpu.memory_space<vmem>>, vector<512x1xf32>
    tpu.vector_store %arg6[%swap3A_18, %swap3A_19], %rsqrt3A {strides = array<i32>} : memref<512x1xf32, #tpu.memory_space<vmem>>, vector<512x1xf32>,
    return
  }
  func.func @transform_0(%arg0: i32) -> (i32, i32) {
    %c0_i32 = arith.constant 0 : i32
    %c0_i32_0 = arith.constant 0 : i32
    return %arg0, %c0_i32 : i32, i32
  }
  func.func @transform_1(%arg0: i32) -> (i32, i32) {
    %c0_i32 = arith.constant 0 : i32
    %c0_i32_0 = arith.constant 0 : i32
    %c0_i32_1 = arith.constant 0 : i32
    return %c0_i32, %c0_i32_0 : i32, i32
  }
  func.func @transform_2(%arg0: i32) -> (i32, i32) {
    %c0_i32 = arith.constant 0 : i32
    %c0_i32_0 = arith.constant 0 : i32
    return %arg0, %c0_i32 : i32, i32
  }
  func.func @transform_3(%arg0: i32) -> (i32, i32) {
    %c0_i32 = arith.constant 0 : i32
    %c0_i32_0 = arith.constant 0 : i32
    return %arg0, %c0_i32 : i32, i32
  }
  func.func @transform_4(%arg0: i32) -> (i32, i32) {
    %c0_i32 = arith.constant 0 : i32
    %c0_i32_0 = arith.constant 0 : i32
    return %arg0, %c0_i32 : i32, i32
  }
  func.func @transform_5(%arg0: i32) -> (i32, i32) {
    %c0_i32 = arith.constant 0 : i32
    %c0_i32_0 = arith.constant 0 : i32
    return %arg0, %c0_i32 : i32, i32
  }
}

module attributes {stable_mosaic.version = 14 : i64} {
  func.func @_fin_body(%arg0: i32, %arg1: memref<2x400x128xf32, #tpu.memory_space<vmem>>, %arg2: memref<400x1xf32, #tpu.memory_space<vmem>>, %arg3: memref<1x128xf32, #tpu.memory_space<vmem>>, %arg4: memref<400x128xf32, #tpu.memory_space<vmem>>) attributes {dimension_semantics = [#tpu.dimension_semantics<arbitrary>], iteration_bounds = array<i64: 25>, scalar_prefetch = 0 : i64, scratch_operands = 0 : i64, tpu.core_type = #tpu.core_type<tc>, window_params = [{transform_indices = @transform_0, window_bounds = array<i64: 2, 400, 128>}, {transform_indices = @transform_1, window_bounds = array<i64: 400, 1>}, {pipeline_mode = #tpu.pipeline_mode<synchronous>, transform_indices = @transform_2, window_bounds = array<i64: 1, 128>}, {transform_indices = @transform_3, window_bounds = array<i64: 400, 128>}]} {
    %get3A = arith.constant 0 : index
    %get3A_0 = arith.constant 0 : index
    %get3A_1 = arith.constant 0 : index
    %get3A_2 = vector.load %arg1[%get3A, %get3A_0, %get3A_1] : memref<2x400x128xf32, #tpu.memory_space<vmem>>, vector<1x400x128xf32>
    %get3A_3 = vector.shape_cast %get3A_2 : vector<1x400x128xf32> to vector<400x128xf32>
    %get3A_4 = arith.constant 1 : index
    %get3A_5 = arith.constant 0 : index
    %get3A_6 = arith.constant 0 : index
    %get3A_7 = vector.load %arg1[%get3A_4, %get3A_5, %get3A_6] : memref<2x400x128xf32, #tpu.memory_space<vmem>>, vector<1x400x128xf32>
    %get3A_8 = vector.shape_cast %get3A_7 : vector<1x400x128xf32> to vector<400x128xf32>
    %add3A = arith.addf %get3A_3, %get3A_8 : vector<400x128xf32>
    %get3A_9 = arith.constant 0 : index
    %get3A_10 = arith.constant 0 : index
    %get3A_11 = vector.load %arg2[%get3A_9, %get3A_10] : memref<400x1xf32, #tpu.memory_space<vmem>>, vector<400x1xf32>
    %mul3A = vector.broadcast %get3A_11 : vector<400x1xf32> to vector<400x128xf32>
    %mul3A_12 = arith.mulf %mul3A, %add3A : vector<400x128xf32>
    %get3A_13 = arith.constant 0 : index
    %get3A_14 = arith.constant 0 : index
    %get3A_15 = vector.load %arg3[%get3A_13, %get3A_14] : memref<1x128xf32, #tpu.memory_space<vmem>>, vector<1x128xf32>
    %add3A_16 = vector.broadcast %get3A_15 : vector<1x128xf32> to vector<400x128xf32>
    %add3A_17 = arith.addf %mul3A_12, %add3A_16 : vector<400x128xf32>
    %max3A = arith.constant 0.000000e+00 : f32
    %max3A_18 = vector.broadcast %max3A : f32 to vector<400x128xf32>
    %max3A_19 = arith.maximumf %add3A_17, %max3A_18 : vector<400x128xf32>
    %swap3A = arith.constant 0 : index
    %swap3A_20 = arith.constant 0 : index
    %swap3A_21 = vector.load %arg4[%swap3A, %swap3A_20] : memref<400x128xf32, #tpu.memory_space<vmem>>, vector<400x128xf32>
    tpu.vector_store %arg4[%swap3A, %swap3A_20], %max3A_19 {strides = array<i32>} : memref<400x128xf32, #tpu.memory_space<vmem>>, vector<400x128xf32>,
    return
  }
  func.func @transform_0(%arg0: i32) -> (i32, i32, i32) {
    %c0_i32 = arith.constant 0 : i32
    %c0_i32_0 = arith.constant 0 : i32
    %c0_i32_1 = arith.constant 0 : i32
    return %c0_i32, %arg0, %c0_i32_0 : i32, i32, i32
  }
  func.func @transform_1(%arg0: i32) -> (i32, i32) {
    %c0_i32 = arith.constant 0 : i32
    %c0_i32_0 = arith.constant 0 : i32
    return %arg0, %c0_i32 : i32, i32
  }
  func.func @transform_2(%arg0: i32) -> (i32, i32) {
    %c0_i32 = arith.constant 0 : i32
    %c0_i32_0 = arith.constant 0 : i32
    %c0_i32_1 = arith.constant 0 : i32
    return %c0_i32, %c0_i32_0 : i32, i32
  }
  func.func @transform_3(%arg0: i32) -> (i32, i32) {
    %c0_i32 = arith.constant 0 : i32
    %c0_i32_0 = arith.constant 0 : i32
    return %arg0, %c0_i32 : i32, i32
  }
}

</mosaic_0001>

<sc_bundles>
// kernel: kernel.6.cloned.1.call-start
scs
__scs_entry_jumppad:
0x0: {  	(pc) =	sbr.rel $0x88, $3  }
0x1: {  	(tag) =	ssettag $0x0;
	lr =	simm.s32 $0x1  }
0x2: {  	[smem:$0x3F9D] =	sst lr;
	_ =	strace $0xD0000000  }
0x3: {  	_ = 	snop  }
0x4: {  	_ = 	snop  }
0x5: {  	_ = 	snop  }
0x6: {  	_ = 	snop  }
0x7: {  	_ = 	snop  }
__scs_overlays_trampoline_lowered:
0x8: {  	[smem:$0x3FAC] =	sst s0  }
0x9: {  	[smem:$0x3FAD] =	sst s1  }
0xa: {  	[smem:$0x3FAE] =	sst s2  }
0xb: {  	[smem:$0x3FAF] =	sst s3  }
0xc: {  	[smem:$0x3FB0] =	sst s4  }
0xd: {  	[smem:$0x3FB1] =	sst s5  }
0xe: {  	[smem:$0x3FB2] =	sst s6  }
0xf: {  	[smem:$0x3FB3] =	sst s7  }
0x10: {  	[smem:$0x3FB4] =	sst s8  }
0x11: {  	[smem:$0x3FB5] =	sst s9;
	s0 =	simm.s32 @!p0 $0x0  }
0x12: {  	s1 =	sld [smem:$0x3F9B];
	s0 =	simm.s32 @p0 $0x1  }
0x13: {  	[smem:$0x3FB6] =	sst s0;
	s0 =	simm.s32 @!p1 $0x0  }
0x14: {  	s2 =	sld [smem:$0x3F9A];
	s0 =	simm.s32 @p1 $0x1  }
0x15: {  	[smem:$0x3FB7] =	sst s0;
	s0 =	simm.s32 @!p2 $0x0  }
0x16: {  	s3 =	sld [smem:$0x3FDB];
	s0 =	simm.s32 @p2 $0x1  }
0x17: {  	s4 =	simm.s32 $0x1BF5;
	[smem:$0x3FB9] =	sst s0  }
0x18: {  	s0 =	sld [smem:$0x3F9C];
	_ =	swait.ge [sflag:s4], $0x0  }
0x19: {  	s7 =	sld [smem:$0x3F9D]  }
0x1a: {  	s8 =	sadd.s32 $0xFFFFE003, lr  }
0x1b: {  	s9 =	sadd.s32 $0xFFFFFEF7, lr;
	s5 =	simm.s32 $0xFFFFFFFF;
	p2 =	slt.u32 s8, $0xFFFFF086  }
0x1c: {  	p1 =	slt.u32 s9, $0xF7A;
	s5 =	simm.s32 @!p2 $0x0  }
0x1d: {  	s5 =	simm.s32 @p1 $0x1;
	p0 =	seq.s32 s7, s2  }
0x1e: {  	s7 =	smul.u32 @!p0 $0xF7A, s2;
	p2 =	seq.s32 @!p0 s5, $0x0  }
0x1f: {  	s9 =	smul.u32 $0xF7A, s1;
	s8 =	simm.s32 @!p0 $0x1BF5;
	p2 =	por !p2, p0  }
0x20: {  	[sflag:s8] =	ssyncset.s32 @!p0 $0xFFFFF086;
	s6 =	sadd.s32 @!p0 s3, s7;
	s7 =	simm.s32 @!p0 $0x108  }
0x21: {  	s3 =	sadd.s32 s3, s9;
	s6 =	sadd.s32 @!p0 $0x88, s6;
	s7 =	simm.s32 @p2 $0x1082  }
0x22: {  	[simem:s7], [sflag:s8] =	dma.local @!p0 [hbm:s6], $0xF7A  }
0x23: {  	s9 =	sor.u32 $0xD0000000, s2;
	s6 =	simm.s32 $0x108;
	_ =	swait.ge @!p0 [sflag:s8], $0x0  }
0x24: {  	s3 =	sadd.s32 $0x88, s3;
	s6 =	simm.s32 @!p1 $0x1082;
	[sflag:s4] =	ssyncset.s32 $0xFFFFF086  }
0x25: {  	[simem:s6], [sflag:s4] =	dma.local [hbm:s3], $0xF7A  }
0x26: {  	[smem:$0x3F9D] =	sst s1;
	(tag) =	ssettag s2;
	_ =	strace s9  }
0x27: {  	s1 =	sld [smem:$0x3FAD]  }
0x28: {  	s2 =	sld [smem:$0x3FAE]  }
0x29: {  	s4 =	sld [smem:$0x3FB0]  }
0x2a: {  	p0 =	seq.s32 s5, $0x0;
	s5 =	sld [smem:$0x3FB1]  }
0x2b: {  	s6 =	sld [smem:$0x3FB2]  }
0x2c: {  	s7 =	sld [smem:$0x3FB3]  }
0x2d: {  	s3 =	simm.s32 $0x108;
	s8 =	sld [smem:$0x3FB4]  }
0x2e: {  	s3 =	simm.s32 @!p0 $0x1082;
	s9 =	sld [smem:$0x3FB5]  }
0x2f: {  	lr =	sadd.s32 s0, s3;
	s0 =	sld [smem:$0x3FAC]  }
0x30: {  	s3 =	sld [smem:$0x3FAF]  }
0x31: {  	[smem:$0x3FB8] =	sst s10  }
0x32: {  	s10 =	sld [smem:$0x3FB6];
	_ =	sdelay $0x3  }
0x33: {  	p0 =	seq.s32 s10, $0x1;
	s10 =	sld [smem:$0x3FB8];
	_ =	sdelay $0x3  }
0x34: {  	[smem:$0x3FB8] =	sst s10  }
0x35: {  	s10 =	sld [smem:$0x3FB7];
	_ =	sdelay $0x3  }
0x36: {  	p1 =	seq.s32 s10, $0x1;
	s10 =	sld [smem:$0x3FB8];
	_ =	sdelay $0x3  }
0x37: {  	[smem:$0x3FB8] =	sst s10  }
0x38: {  	s10 =	sld [smem:$0x3FB9]  }
0x39: {  	_ = 	snop;
	(pc) =	sbr.ind lr, $3  }
0x3a: {  	_ = 	snop  }
0x3b: {  	_ = 	snop  }
0x3c: {  	p2 =	seq.s32 s10, $0x1;
	s10 =	sld [smem:$0x3FB8]  }
0x3d: {  	_ =	shalt  }
0x3e: {  	_ =	shalt  }
0x3f: {  	_ =	shalt  }
0x40: {  	_ =	shalt  }
0x41: {  	_ =	shalt  }
0x42: {  	_ =	shalt  }
0x43: {  	_ =	shalt  }
0x44: {  	_ =	shalt  }
0x45: {  	_ =	shalt  }
0x46: {  	_ =	shalt  }
0x47: {  	_ =	shalt  }
0x48: {  	_ =	shalt  }
0x49: {  	_ =	shalt  }
0x4a: {  	_ =	shalt  }
0x4b: {  	_ =	shalt  }
0x4c: {  	_ =	shalt  }
0x4d: {  	_ =	shalt  }
0x4e: {  	_ =	shalt  }
0x4f: {  	_ =	shalt  }
0x50: {  	_ =	shalt  }
0x51: {  	_ =	shalt  }
0x52: {  	_ =	shalt  }
0x53: {  	_ =	shalt  }
0x54: {  	_ =	shalt  }
0x55: {  	_ =	shalt  }
0x56: {  	_ =	shalt  }
0x57: {  	_ =	shalt  }
0x58: {  	_ =	shalt  }
0x59: {  	_ =	shalt  }
0x5a: {  	_ =	shalt  }
0x5b: {  	_ =	shalt  }
0x5c: {  	_ =	shalt  }
0x5d: {  	_ =	shalt  }
0x5e: {  	_ =	shalt  }
0x5f: {  	_ =	shalt  }
0x60: {  	_ =	shalt  }
0x61: {  	_ =	shalt  }
0x62: {  	_ =	shalt  }
0x63: {  	_ =	shalt  }
0x64: {  	_ =	shalt  }
0x65: {  	_ =	shalt  }
0x66: {  	_ =	shalt  }
0x67: {  	_ =	shalt  }
0x68: {  	_ =	shalt  }
0x69: {  	_ =	shalt  }
0x6a: {  	_ =	shalt  }
0x6b: {  	_ =	shalt  }
0x6c: {  	_ =	shalt  }
0x6d: {  	_ =	shalt  }
0x6e: {  	_ =	shalt  }
0x6f: {  	_ =	shalt  }
0x70: {  	_ =	shalt  }
0x71: {  	_ =	shalt  }
0x72: {  	_ =	shalt  }
0x73: {  	_ =	shalt  }
0x74: {  	_ =	shalt  }
0x75: {  	_ =	shalt  }
0x76: {  	_ =	shalt  }
0x77: {  	_ =	shalt  }
0x78: {  	_ =	shalt  }
0x79: {  	_ =	shalt  }
0x7a: {  	_ =	shalt  }
0x7b: {  	_ =	shalt  }
0x7c: {  	_ =	shalt  }
0x7d: {  	_ =	shalt  }
0x7e: {  	_ =	shalt  }
0x7f: {  	_ =	shalt  }
0x80: {  	_ =	shalt  }
0x81: {  	_ =	shalt  }
0x82: {  	_ =	shalt  }
0x83: {  	_ =	shalt  }
0x84: {  	_ =	shalt  }
0x85: {  	_ =	shalt  }
0x86: {  	_ =	shalt  }
0x87: {  	_ =	shalt  }
.Lfunc_end0:
.L_simem_size_0:
called_computation_lowered:
.L_overlay_start_0:
0x88: {  	s2 =	sld [smem:$0x3FD9]  }
0x89: {  	s3 =	sld [smem:$0x3FFE];
	_ =	sdelay $0x1  }
0x8a: {  	s1 =	srdreg.scid  }
0x8b: {  	s0 =	sand.u32 $0x1, s1  }
0x8c: {  	s17 =	sshll.u32 s0, $0xA;
	s2 =	sadd.s32 s3, s2  }
0x8d: {  	s2 =	sadd.s32 s2, s17  }
0x8e: {  	[smem:$0x3FC4] =	sst s2  }
0x8f: {  	_ = 	snop  }
0x90: {  	s2 =	sld [smem:$0x3FD0];
	(tm) =	ssettm $0x1  }
0x91: {  	s18 =	sld [smem:$0x3FFB];
	_ =	sdelay $0x3  }
0x92: {  	_ =	strace s18  }
0x93: {  	s3 =	sld [smem:$0x3FFC];
	_ =	sdelay $0x3  }
0x94: {  	_ =	strace s3  }
0x95: {  	s3 =	sld [smem:$0x3FFD];
	_ =	sdelay $0x3  }
0x96: {  	_ =	strace s3  }
0x97: {  	_ =	strace $0x8FFFFFFF  }
0x98: {  	s19 =	sld [smem:$0x3FDB];
	_ =	sdelay $0x1  }
0x99: {  	s4 =	simm.s32 $_scs_section_size  }
0x9a: {  	s5 =	simm.s32 $_size__tile_overlayer_lowered;
	s6 =	simm.s32 $_tile_overlayer_lowered  }
0x9b: {  	s22 =	simm.s32 $0x1BFF;
	s21 =	sshll.u32 s6, $0x1;
	s3 =	sadd.s32 s4, s19  }
0x9c: {  	s7 =	simm.s32 $0x0;
	s20 =	sshll.u32 s5, $0x1;
	s5 =	sadd.s32 s21, s3  }
0x9d: {  	[timem:s7], [sflag:s22] =	dma.local [hbm:s5], s20  }
0x9e: {  	_ =	swait.ge [sflag:s22], s20  }
0x9f: {  	s4 =	ssub.s32 $0x0, s20;
	[sflag:s22] =	ssyncset.done $0x0  }
0xa0: {  	[sflag:s22] =	ssyncadd.s32 s4;
	_ =	sdelay $0x1  }
0xa1: {  	s23 =	simm.s32 $0x1B8B  }
0xa2: {  	_ =	swait.ge [sflag:s23], $0x1  }
0xa3: {  	[sflag:s23] =	ssyncset.done $0x0  }
0xa4: {  	s25 =	simm.s32 $0x1B8E;
	s24 =	sld [smem:$0x3FFE];
	[sflag:s23] =	ssyncadd.s32 $0xFFFFFFFF  }
0xa5: {  	s26 =	simm.s32 $execute0_lowered;
	[smem:$0x3FD2] =	sst s25  }
0xa6: {  	s5 =	sshll.u32 s26, $0x1;
	_ =	strace $0x80000046;
	[dreg:$0x1] =	wrdreg $0xFFFFFFFF  }
0xa7: {  	s28 =	simm.s32 $_size_execute0_lowered;
	s3 =	sadd.s32 s3, s5;
	[dreg:$0x0] =	wrdreg $0x0  }
0xa8: {  	s5 =	sshll.u32 s28, $0x1;
	[dreg:$0x2] =	wrdreg s3  }
0xa9: {  	[dreg:$0x3] =	wrdreg s5  }
0xaa: {  	[dreg:$0x4] =	wrdreg $0xC0  }
0xab: {  	_ =	task [dreg:s7], $0x5FFFF  }
0xac: {  	[dreg:$0x1] =	wrdreg $0xFFFFFFFF  }
0xad: {  	[dreg:$0x0] =	wrdreg $0x60  }
0xae: {  	[dreg:$0x2] =	wrdreg s2  }
0xaf: {  	[dreg:$0x3] =	wrdreg s24  }
0xb0: {  	[dreg:$0x4] =	wrdreg $0x28800  }
0xb1: {  	[dreg:$0x5] =	wrdreg $0x9  }
0xb2: {  	_ =	task.clear_ibuf [dreg:s7], $0x6FFFF;
	_ =	strace $0x90000046  }
0xb3: {  	s29 =	simm.s32 $0x9;
	_ =	strace $0x80000048  }
0xb4: {  	_ =	swait.ge [sflag:s29], $0x1  }
0xb5: {  	[sflag:s29] =	ssyncadd.s32 $0xFFFFFFFF  }
0xb6: {  	_ =	strace $0x90000048  }
0xb7: {  	_ =	sfence  }
0xb8: {  	s30 =	sld [smem:$0x0];
	_ =	sdelay $0x2  }
0xb9: {  	s31 =	sshll.u32 s1, $0xD;
	s1 =	sshrl.u32 s1, $0x2  }
0xba: {  	s3 =	sand.u32 $0x4000, s31;
	s1 =	sadd.s32 s1, s30  }
0xbb: {  	s0 =	sor.u32 s3, s0;
	s1 =	sshll.u32 s1, $0x11  }
0xbc: {  	s0 =	sor.u32 s1, s0  }
0xbd: {  	s0 =	sadd.s32 $0x8F2B, s0  }
0xbe: {  	[sflag:s0] =	ssyncadd.remote.s32 $0x1  }
0xbf: {  	_ =	sfence.sel $0xFFFF  }
0xc0: {  	[dreg:$0x0] =	wrdreg $0xFFFFFFFF;
	(pc) =	sbr.abs _section_cstart, $3  }
0xc1: {  	[dreg:$0x1] =	wrdreg $0xFFFFFFFF  }
0xc2: {  	_ =	task.clear_ibuf [dreg:s7], $0x2FFFF;
	_ =	strace $0x9FFFFFFF  }
0xc3: {  	(tm) =	ssettm $0x7FFFFFFF  }
tec
execute0_lowered:
.L_overlay_start_1:
0x0: {  	(tag) =	ssettag $0x1  }
0x1: {  	s6 =	rddreg [dreg:$0x0]  }
0x2: {  	s5 =	rddreg [dreg:$0x1]  }
0x3: {  	s1 =	rddreg [dreg:$0x2]  }
0x4: {  	s3 =	srdreg.scid;
	s0 =	rddreg [dreg:$0x3];
	s2 =	simm.s32 $0x0  }
0x5: {  	s10 =	stileid.u32;
	s15 =	simm.s32 $0x0;
	s7 =	sand.u32 $0x1, s3  }
0x6: {  	[smem:$0x7FF] =	sst s2;
	p0 =	seq.s32 s10, $0x0;
	s3 =	sshll.u32 s7, $0x4  }
0x7: {  	_ =	strace $0x80000047;
	s8 =	ssub.s32 $0x2, s7;
	p1 =	seq.s32 s7, $0x1  }
0x8: {  	s31 =	sor.u32 s7, s10;
	s4 =	sor.u32 s10, s3;
	s3 =	sadd.s32 $0x2000, s5  }
0x9: {  	s11 =	sshrl.u32 s8, $0x1;
	p0 =	por !p0, !p1;
	p2 =	sne.s32 s31, $0x0  }
0xa: {  	s9 =	smul.u32 $0x2800, s4;
	s4 =	sadd.s32 $0x2C00, s5;
	s5 =	sadd.s32 $0x2600, s5  }
0xb: {  	s8 =	ssub.s32 s8, s11;
	p1 =	por !p0, !p0;
	p0 =	sne.s32 s10, $0x0  }
0xc: {  	s12 =	sshll.u32 @!p2 s10, $0x6;
	s10 =	simm.s32 $0x7D;
	s11 =	simm.s32 $0x2800  }
0xd: {  	s13 =	sshrl.u32 @!p2 s1, $0x3;
	s7 =	smax.u32 s8, $0x1;
	s9 =	sshrl.u32 s9, $0x3  }
0xe: {  	s8 =	sshrl.u32 @!p0 s1, $0x3;
	s12 =	sor.u32 @!p2 $0x1C01, s12;
	s6 =	sadd.s32 s6, s9  }
0xf: {  	v0 =	vimm.f32 $1.000000000e+00;
	s14 =	sshrl.u32 @p1 s1, $0x3;
	s9 =	simm.s32 $0x1;
	s6 =	sadd.s32 $0xA000, s6  }
.LBB2_1:
0x10: {  	[tilespmem:$0x2800] =	vst v0  }
0x11: {  	[tilespmem:$0x2810] =	vst v0  }
0x12: {  	[tilespmem:$0x2820] =	vst v0  }
0x13: {  	[tilespmem:$0x2830] =	vst v0  }
0x14: {  	[tilespmem:$0x2840] =	vst v0  }
0x15: {  	[tilespmem:$0x2850] =	vst v0  }
0x16: {  	[tilespmem:$0x2860] =	vst v0  }
0x17: {  	[tilespmem:$0x2870] =	vst v0;
	s16 =	simm.s32 @!p0 $0x1C01  }
0x18: {  	[spmem:s8], [sflag:s16] =	dma.local @!p0 [hbm:s3], $0x500  }
0x19: {  	s16 =	simm.s32 @!p0 $0x1  }
0x1a: {  	_ =	swait.ge @!p0 [sflag:s16], $0x500  }
0x1b: {  	[sflag:s16] =	ssyncset.done @!p0 $0x0  }
0x1c: {  	[sflag:s16] =	ssyncadd.s32 @!p0 $0xFFFFFB00  }
0x1d: {  	[bflag:$0x0] =	sbarrier.arrive $0xFFFF  }
0x1e: {  	[tilespmem:s2], [sflag:$0x1] =	stream.linear.gather [hbm4b:s6+s2], $0x2800, $0x38;
	[tilespmem:$0x2B00] =	vst v63  }
0x1f: {  	_ =	swait.ge [sflag:s9], $0x2800  }
0x20: {  	[sflag:s9] =	ssyncset.done $0x0  }
0x21: {  	s31 =	simm.s32 $0x0;
	[sflag:s9] =	ssyncadd.s32 $0xFFFFD800  }
0x22: {  	[spmem:s1] =	stream.indirect.scatter.add.f32 [tilespmem:s11], [sflag:$0x1], $0x1, s31, s10, $0xb8;
	[tilespmem:$0x2B00] =	vst v63  }
0x23: {  	_ =	swait.ge [sflag:s9], $0x7D  }
0x24: {  	s16 =	simm.s32 $0x200;
	[sflag:s9] =	ssyncset.done $0x0  }
.LBB2_2:
0x25: {  	s17 =	sshra.s32 s16, $0x2;
	[sflag:s9] =	ssyncadd.s32 $0xFFFFFF83;
	p3 =	sne.s32 s16, $0x9E00  }
0x26: {  	[spmem:s1] =	stream.indirect.scatter.add.f32 [tilespmem:s11], [sflag:$0x1], $0x1, s17, s10, $0xb8;
	[tilespmem:$0x2B00] =	vst v63  }
.Ltmp0:
0x27: {  	_ = 	snop;
	(pc) =	sbr.rel @p3 .LBB2_2-.Ltmp0, $4  }
0x28: {  	_ = 	snop  }
0x29: {  	s16 =	sadd.s32 $0x200, s16  }
0x2a: {  	_ =	swait.ge [sflag:s9], $0x7D  }
0x2b: {  	[sflag:s9] =	ssyncset.done $0x0  }
0x2c: {  	[sflag:s9] =	ssyncadd.s32 $0xFFFFFF83  }
0x2d: {  	s16 =	simm.s32 @!p2 $0x1;
	[bflag:$0x0] =	sbarrier.arrive $0xFFFF  }
0x2e: {  	[hbm:s4], [sflag:s12] =	dma.local @!p2 [spmem:s13], $0x500  }
0x2f: {  	_ =	swait.ge @!p2 [sflag:s16], $0x500  }
0x30: {  	s15 =	sadd.s32 $0x1, s15;
	[sflag:s16] =	ssyncset.done @!p2 $0x0  }
0x31: {  	p3 =	sne.s32 s15, s7;
	[sflag:s16] =	ssyncadd.s32 @!p2 $0xFFFFFB00;
	s16 =	simm.s32 @p1 $0x1C01  }
0x32: {  	[hbm:s5], [sflag:s16] =	dma.local @p1 [spmem:s14], $0x500  }
.Ltmp1:
0x33: {  	_ = 	snop;
	(pc) =	sbr.rel @p3 .LBB2_1-.Ltmp1, $4  }
0x34: {  	s16 =	simm.s32 @p1 $0x1  }
0x35: {  	_ =	swait.ge @p1 [sflag:s16], $0x500  }
0x36: {  	[sflag:s16] =	ssyncset.done @p1 $0x0  }
0x37: {  	[sflag:s16] =	ssyncadd.s32 @p1 $0xFFFFFB00  }
0x38: {  	_ =	sfence.sel $0x180000  }
0x39: {  	[bflag:$0x0] =	sbarrier.arrive $0xFFFF  }
0x3a: {  	_ =	strace $0x90000047  }
0x3b: {  	s0 =	sadd.s32 @!p0 $0x100000, s0;
	[bflag:$0x2] =	sbarrier.arrive $0xFFFF  }
0x3c: {  	[sflag:s0] =	ssyncadd.tile.s32 @!p0 $0x1;
	_ =	shalt  }
.Lfunc_end2:
_tile_overlayer_lowered:
.L_overlay_start_2:
0x3d: {  	(tag) =	ssettag $0x2  }
0x3e: {  	s0 =	rddreg [dreg:$0x0];
	s2 =	stileid.u32  }
0x3f: {  	s1 =	rddreg [dreg:$0x1];
	p0 =	sne.s32 s2, $0x0  }
0x40: {  	s3 =	rddreg [dreg:$0x2];
	[bflag:$0x3] =	sbarrier.arrive $0xFFFF;
	s2 =	simm.s32 @!p0 $0x1C01  }
0x41: {  	[timem:s3], [sflag:s2] =	dma.local @!p0 [hbm:s0], s1  }
0x42: {  	s0 =	simm.s32 @!p0 $0x1  }
0x43: {  	_ =	swait.ge @!p0 [sflag:s0], s1  }
0x44: {  	s1 =	ssub.s32 @!p0 $0x0, s1;
	[sflag:s0] =	ssyncset.done @!p0 $0x0  }
0x45: {  	[sflag:s0] =	ssyncadd.s32 @!p0 s1  }
0x46: {  	[bflag:$0x3] =	sbarrier.arrive $0xFFFF  }
0x47: {  	_ =	shalt  }

// kernel: kernel.9.cloned.1.call-start
scs
__scs_entry_jumppad:
0x0: {  	(pc) =	sbr.rel $0x88, $3  }
0x1: {  	(tag) =	ssettag $0x0;
	lr =	simm.s32 $0x1  }
0x2: {  	[smem:$0x3F9D] =	sst lr;
	_ =	strace $0xD0000000  }
0x3: {  	_ = 	snop  }
0x4: {  	_ = 	snop  }
0x5: {  	_ = 	snop  }
0x6: {  	_ = 	snop  }
0x7: {  	_ = 	snop  }
__scs_overlays_trampoline_lowered:
0x8: {  	[smem:$0x3FAC] =	sst s0  }
0x9: {  	[smem:$0x3FAD] =	sst s1  }
0xa: {  	[smem:$0x3FAE] =	sst s2  }
0xb: {  	[smem:$0x3FAF] =	sst s3  }
0xc: {  	[smem:$0x3FB0] =	sst s4  }
0xd: {  	[smem:$0x3FB1] =	sst s5  }
0xe: {  	[smem:$0x3FB2] =	sst s6  }
0xf: {  	[smem:$0x3FB3] =	sst s7  }
0x10: {  	[smem:$0x3FB4] =	sst s8  }
0x11: {  	[smem:$0x3FB5] =	sst s9;
	s0 =	simm.s32 @!p0 $0x0  }
0x12: {  	s1 =	sld [smem:$0x3F9B];
	s0 =	simm.s32 @p0 $0x1  }
0x13: {  	[smem:$0x3FB6] =	sst s0;
	s0 =	simm.s32 @!p1 $0x0  }
0x14: {  	s2 =	sld [smem:$0x3F9A];
	s0 =	simm.s32 @p1 $0x1  }
0x15: {  	[smem:$0x3FB7] =	sst s0;
	s0 =	simm.s32 @!p2 $0x0  }
0x16: {  	s3 =	sld [smem:$0x3FDB];
	s0 =	simm.s32 @p2 $0x1  }
0x17: {  	s4 =	simm.s32 $0x1BF5;
	[smem:$0x3FB9] =	sst s0  }
0x18: {  	s0 =	sld [smem:$0x3F9C];
	_ =	swait.ge [sflag:s4], $0x0  }
0x19: {  	s7 =	sld [smem:$0x3F9D]  }
0x1a: {  	s8 =	sadd.s32 $0xFFFFE003, lr  }
0x1b: {  	s9 =	sadd.s32 $0xFFFFFEF7, lr;
	s5 =	simm.s32 $0xFFFFFFFF;
	p2 =	slt.u32 s8, $0xFFFFF086  }
0x1c: {  	p1 =	slt.u32 s9, $0xF7A;
	s5 =	simm.s32 @!p2 $0x0  }
0x1d: {  	s5 =	simm.s32 @p1 $0x1;
	p0 =	seq.s32 s7, s2  }
0x1e: {  	s7 =	smul.u32 @!p0 $0xF7A, s2;
	p2 =	seq.s32 @!p0 s5, $0x0  }
0x1f: {  	s9 =	smul.u32 $0xF7A, s1;
	s8 =	simm.s32 @!p0 $0x1BF5;
	p2 =	por !p2, p0  }
0x20: {  	[sflag:s8] =	ssyncset.s32 @!p0 $0xFFFFF086;
	s6 =	sadd.s32 @!p0 s3, s7;
	s7 =	simm.s32 @!p0 $0x108  }
0x21: {  	s3 =	sadd.s32 s3, s9;
	s6 =	sadd.s32 @!p0 $0x88, s6;
	s7 =	simm.s32 @p2 $0x1082  }
0x22: {  	[simem:s7], [sflag:s8] =	dma.local @!p0 [hbm:s6], $0xF7A  }
0x23: {  	s9 =	sor.u32 $0xD0000000, s2;
	s6 =	simm.s32 $0x108;
	_ =	swait.ge @!p0 [sflag:s8], $0x0  }
0x24: {  	s3 =	sadd.s32 $0x88, s3;
	s6 =	simm.s32 @!p1 $0x1082;
	[sflag:s4] =	ssyncset.s32 $0xFFFFF086  }
0x25: {  	[simem:s6], [sflag:s4] =	dma.local [hbm:s3], $0xF7A  }
0x26: {  	[smem:$0x3F9D] =	sst s1;
	(tag) =	ssettag s2;
	_ =	strace s9  }
0x27: {  	s1 =	sld [smem:$0x3FAD]  }
0x28: {  	s2 =	sld [smem:$0x3FAE]  }
0x29: {  	s4 =	sld [smem:$0x3FB0]  }
0x2a: {  	p0 =	seq.s32 s5, $0x0;
	s5 =	sld [smem:$0x3FB1]  }
0x2b: {  	s6 =	sld [smem:$0x3FB2]  }
0x2c: {  	s7 =	sld [smem:$0x3FB3]  }
0x2d: {  	s3 =	simm.s32 $0x108;
	s8 =	sld [smem:$0x3FB4]  }
0x2e: {  	s3 =	simm.s32 @!p0 $0x1082;
	s9 =	sld [smem:$0x3FB5]  }
0x2f: {  	lr =	sadd.s32 s0, s3;
	s0 =	sld [smem:$0x3FAC]  }
0x30: {  	s3 =	sld [smem:$0x3FAF]  }
0x31: {  	[smem:$0x3FB8] =	sst s10  }
0x32: {  	s10 =	sld [smem:$0x3FB6];
	_ =	sdelay $0x3  }
0x33: {  	p0 =	seq.s32 s10, $0x1;
	s10 =	sld [smem:$0x3FB8];
	_ =	sdelay $0x3  }
0x34: {  	[smem:$0x3FB8] =	sst s10  }
0x35: {  	s10 =	sld [smem:$0x3FB7];
	_ =	sdelay $0x3  }
0x36: {  	p1 =	seq.s32 s10, $0x1;
	s10 =	sld [smem:$0x3FB8];
	_ =	sdelay $0x3  }
0x37: {  	[smem:$0x3FB8] =	sst s10  }
0x38: {  	s10 =	sld [smem:$0x3FB9]  }
0x39: {  	_ = 	snop;
	(pc) =	sbr.ind lr, $3  }
0x3a: {  	_ = 	snop  }
0x3b: {  	_ = 	snop  }
0x3c: {  	p2 =	seq.s32 s10, $0x1;
	s10 =	sld [smem:$0x3FB8]  }
0x3d: {  	_ =	shalt  }
0x3e: {  	_ =	shalt  }
0x3f: {  	_ =	shalt  }
0x40: {  	_ =	shalt  }
0x41: {  	_ =	shalt  }
0x42: {  	_ =	shalt  }
0x43: {  	_ =	shalt  }
0x44: {  	_ =	shalt  }
0x45: {  	_ =	shalt  }
0x46: {  	_ =	shalt  }
0x47: {  	_ =	shalt  }
0x48: {  	_ =	shalt  }
0x49: {  	_ =	shalt  }
0x4a: {  	_ =	shalt  }
0x4b: {  	_ =	shalt  }
0x4c: {  	_ =	shalt  }
0x4d: {  	_ =	shalt  }
0x4e: {  	_ =	shalt  }
0x4f: {  	_ =	shalt  }
0x50: {  	_ =	shalt  }
0x51: {  	_ =	shalt  }
0x52: {  	_ =	shalt  }
0x53: {  	_ =	shalt  }
0x54: {  	_ =	shalt  }
0x55: {  	_ =	shalt  }
0x56: {  	_ =	shalt  }
0x57: {  	_ =	shalt  }
0x58: {  	_ =	shalt  }
0x59: {  	_ =	shalt  }
0x5a: {  	_ =	shalt  }
0x5b: {  	_ =	shalt  }
0x5c: {  	_ =	shalt  }
0x5d: {  	_ =	shalt  }
0x5e: {  	_ =	shalt  }
0x5f: {  	_ =	shalt  }
0x60: {  	_ =	shalt  }
0x61: {  	_ =	shalt  }
0x62: {  	_ =	shalt  }
0x63: {  	_ =	shalt  }
0x64: {  	_ =	shalt  }
0x65: {  	_ =	shalt  }
0x66: {  	_ =	shalt  }
0x67: {  	_ =	shalt  }
0x68: {  	_ =	shalt  }
0x69: {  	_ =	shalt  }
0x6a: {  	_ =	shalt  }
0x6b: {  	_ =	shalt  }
0x6c: {  	_ =	shalt  }
0x6d: {  	_ =	shalt  }
0x6e: {  	_ =	shalt  }
0x6f: {  	_ =	shalt  }
0x70: {  	_ =	shalt  }
0x71: {  	_ =	shalt  }
0x72: {  	_ =	shalt  }
0x73: {  	_ =	shalt  }
0x74: {  	_ =	shalt  }
0x75: {  	_ =	shalt  }
0x76: {  	_ =	shalt  }
0x77: {  	_ =	shalt  }
0x78: {  	_ =	shalt  }
0x79: {  	_ =	shalt  }
0x7a: {  	_ =	shalt  }
0x7b: {  	_ =	shalt  }
0x7c: {  	_ =	shalt  }
0x7d: {  	_ =	shalt  }
0x7e: {  	_ =	shalt  }
0x7f: {  	_ =	shalt  }
0x80: {  	_ =	shalt  }
0x81: {  	_ =	shalt  }
0x82: {  	_ =	shalt  }
0x83: {  	_ =	shalt  }
0x84: {  	_ =	shalt  }
0x85: {  	_ =	shalt  }
0x86: {  	_ =	shalt  }
0x87: {  	_ =	shalt  }
.Lfunc_end0:
.L_simem_size_0:
called_computation.1_lowered:
.L_overlay_start_0:
0x88: {  	s2 =	sld [smem:$0x3FD9]  }
0x89: {  	s3 =	sld [smem:$0x3FFE];
	_ =	sdelay $0x1  }
0x8a: {  	s1 =	srdreg.scid  }
0x8b: {  	s0 =	sand.u32 $0x1, s1  }
0x8c: {  	s17 =	sshll.u32 s0, $0xA;
	s2 =	sadd.s32 s3, s2  }
0x8d: {  	s2 =	sadd.s32 s2, s17  }
0x8e: {  	[smem:$0x3FC4] =	sst s2  }
0x8f: {  	_ = 	snop  }
0x90: {  	s2 =	sld [smem:$0x3FD0];
	(tm) =	ssettm $0x1  }
0x91: {  	s18 =	sld [smem:$0x3FFB];
	_ =	sdelay $0x3  }
0x92: {  	_ =	strace s18  }
0x93: {  	s3 =	sld [smem:$0x3FFC];
	_ =	sdelay $0x3  }
0x94: {  	_ =	strace s3  }
0x95: {  	s3 =	sld [smem:$0x3FFD];
	_ =	sdelay $0x3  }
0x96: {  	_ =	strace s3  }
0x97: {  	_ =	strace $0x8FFFFFFF  }
0x98: {  	s19 =	sld [smem:$0x3FDB];
	_ =	sdelay $0x1  }
0x99: {  	s4 =	simm.s32 $_scs_section_size  }
0x9a: {  	s5 =	simm.s32 $_size__tile_overlayer_lowered;
	s6 =	simm.s32 $_tile_overlayer_lowered  }
0x9b: {  	s22 =	simm.s32 $0x1BFF;
	s21 =	sshll.u32 s6, $0x1;
	s3 =	sadd.s32 s4, s19  }
0x9c: {  	s7 =	simm.s32 $0x0;
	s20 =	sshll.u32 s5, $0x1;
	s5 =	sadd.s32 s21, s3  }
0x9d: {  	[timem:s7], [sflag:s22] =	dma.local [hbm:s5], s20  }
0x9e: {  	_ =	swait.ge [sflag:s22], s20  }
0x9f: {  	s4 =	ssub.s32 $0x0, s20;
	[sflag:s22] =	ssyncset.done $0x0  }
0xa0: {  	[sflag:s22] =	ssyncadd.s32 s4;
	_ =	sdelay $0x1  }
0xa1: {  	s23 =	simm.s32 $0x1B8B  }
0xa2: {  	_ =	swait.ge [sflag:s23], $0x1  }
0xa3: {  	[sflag:s23] =	ssyncset.done $0x0  }
0xa4: {  	s25 =	simm.s32 $0x1B8E;
	s24 =	sld [smem:$0x3FFE];
	[sflag:s23] =	ssyncadd.s32 $0xFFFFFFFF  }
0xa5: {  	s26 =	simm.s32 $execute0_lowered;
	[smem:$0x3FD2] =	sst s25  }
0xa6: {  	s5 =	sshll.u32 s26, $0x1;
	_ =	strace $0x80000049;
	[dreg:$0x1] =	wrdreg $0xFFFFFFFF  }
0xa7: {  	s28 =	simm.s32 $_size_execute0_lowered;
	s3 =	sadd.s32 s3, s5;
	[dreg:$0x0] =	wrdreg $0x0  }
0xa8: {  	s5 =	sshll.u32 s28, $0x1;
	[dreg:$0x2] =	wrdreg s3  }
0xa9: {  	[dreg:$0x3] =	wrdreg s5  }
0xaa: {  	[dreg:$0x4] =	wrdreg $0xC0  }
0xab: {  	_ =	task [dreg:s7], $0x5FFFF  }
0xac: {  	[dreg:$0x1] =	wrdreg $0xFFFFFFFF  }
0xad: {  	[dreg:$0x0] =	wrdreg $0x60  }
0xae: {  	[dreg:$0x2] =	wrdreg s24  }
0xaf: {  	[dreg:$0x3] =	wrdreg s2  }
0xb0: {  	[dreg:$0x4] =	wrdreg $0x90000  }
0xb1: {  	[dreg:$0x5] =	wrdreg $0x9  }
0xb2: {  	_ =	task.clear_ibuf [dreg:s7], $0x6FFFF;
	_ =	strace $0x90000049  }
0xb3: {  	s29 =	simm.s32 $0x9;
	_ =	strace $0x8000004B  }
0xb4: {  	_ =	swait.ge [sflag:s29], $0x1  }
0xb5: {  	[sflag:s29] =	ssyncadd.s32 $0xFFFFFFFF  }
0xb6: {  	_ =	strace $0x9000004B  }
0xb7: {  	_ =	sfence  }
0xb8: {  	s30 =	sld [smem:$0x0];
	_ =	sdelay $0x2  }
0xb9: {  	s31 =	sshll.u32 s1, $0xD;
	s1 =	sshrl.u32 s1, $0x2  }
0xba: {  	s3 =	sand.u32 $0x4000, s31;
	s1 =	sadd.s32 s1, s30  }
0xbb: {  	s0 =	sor.u32 s3, s0;
	s1 =	sshll.u32 s1, $0x11  }
0xbc: {  	s0 =	sor.u32 s1, s0  }
0xbd: {  	s0 =	sadd.s32 $0x8F2B, s0  }
0xbe: {  	[sflag:s0] =	ssyncadd.remote.s32 $0x1  }
0xbf: {  	_ =	sfence.sel $0xFFFF  }
0xc0: {  	[dreg:$0x0] =	wrdreg $0xFFFFFFFF;
	(pc) =	sbr.abs _section_cstart, $3  }
0xc1: {  	[dreg:$0x1] =	wrdreg $0xFFFFFFFF  }
0xc2: {  	_ =	task.clear_ibuf [dreg:s7], $0x2FFFF;
	_ =	strace $0x9FFFFFFF  }
0xc3: {  	(tm) =	ssettm $0x7FFFFFFF  }
tec
execute0_lowered:
.L_overlay_start_1:
0x0: {  	(tag) =	ssettag $0x1  }
0x1: {  	s0 =	rddreg [dreg:$0x0]  }
0x2: {  	s17 =	rddreg [dreg:$0x1]  }
0x3: {  	s2 =	rddreg [dreg:$0x2]  }
0x4: {  	s1 =	srdreg.scid;
	s11 =	stileid.u32  }
0x5: {  	s4 =	simm.s32 $0x0;
	s28 =	simm.s32 $0x680;
	s6 =	smul.u32 $0x14000, s11  }
0x6: {  	s29 =	simm.s32 $0x380;
	s30 =	simm.s32 $0x700;
	s9 =	smul.u32 $0x50000, s11  }
0x7: {  	s31 =	simm.s32 $0x780;
	s1 =	sand.u32 $0x1, s1;
	s19 =	smul.u32 $0x2800, s11  }
0x8: {  	[smem:$0x7FF] =	sst s4;
	s5 =	sadd.s32 $0x2000, s0;
	s24 =	smul.u32 $0x500, s11  }
0x9: {  	s7 =	sadd.s32 $0x2A000, s0;
	s25 =	sshll.u32 s11, $0x6;
	s3 =	smul.u32 $0x140000, s1  }
0xa: {  	_ =	strace $0x8000004A;
	s15 =	sshll.u32 s1, $0x4;
	s21 =	smul.u32 $0x28000, s1  }
0xb: {  	s8 =	ssub.s32 $0x2, s1;
	p0 =	seq.s32 s1, $0x1;
	s1 =	smul.u32 $0x5000, s1  }
0xc: {  	s10 =	sshrl.u32 s8, $0x1;
	s18 =	sshrl.u32 s9, $0x2;
	s9 =	simm.s32 $0x600  }
0xd: {  	s3 =	sadd.s32 s6, s3;
	s6 =	sor.u32 s11, s15;
	s16 =	ssub.s32 s8, s10  }
0xe: {  	s8 =	sadd.s32 s18, s2;
	s23 =	sadd.s32 s19, s21;
	s1 =	sadd.s32 s1, s17  }
0xf: {  	s18 =	simm.s32 $0x800;
	s21 =	simm.s32 $0x1000;
	s11 =	simm.s32 $0x3  }
0x10: {  	s15 =	simm.s32 $0x4;
	s3 =	sshrl.u32 s3, $0x3;
	s6 =	smul.u32 $0x2800, s6  }
0x11: {  	s22 =	smax.u32 s16, $0x1;
	s12 =	sadd.s32 s24, s1;
	s26 =	sadd.s32 $0x800, s23  }
0x12: {  	s14 =	sshrl.u32 s8, $0x3;
	s16 =	simm.s32 $0x5;
	[dreg:$0x7] =	wrdreg s22  }
0x13: {  	s24 =	simm.s32 $0x1;
	s8 =	simm.s32 $0x280;
	[dreg:$0xa] =	wrdreg s26  }
0x14: {  	s0 =	sadd.s32 s3, s0;
	s26 =	simm.s32 $0x2;
	[dreg:$0xb] =	wrdreg s14  }
0x15: {  	s3 =	simm.s32 $0x200;
	s6 =	sshrl.u32 s6, $0x3;
	s0 =	sadd.s32 $0x52000, s0  }
0x16: {  	s20 =	sadd.s32 s17, s6;
	[dreg:$0x6] =	wrdreg s0;
	s0 =	smov.u32 s5  }
0x17: {  	s6 =	sadd.s32 $0x50800, s23;
	s23 =	simm.s32 $0x5000;
	[dreg:$0x4] =	wrdreg s20  }
0x18: {  	s10 =	sadd.s32 $0xA000, s20;
	s0 =	smov.u32 @p0 s7;
	s6 =	sshrl.u32 s6, $0x3  }
0x19: {  	s20 =	simm.s32 $0x7D;
	s7 =	simm.s32 $0x580;
	[dreg:$0x5] =	wrdreg s10  }
0x1a: {  	s0 =	sadd.s32 s0, s19;
	s10 =	sor.u32 $0x1C05, s25;
	s13 =	sadd.s32 s6, s17  }
0x1b: {  	s25 =	simm.s32 $0x400;
	s19 =	simm.s32 $0xC00;
	[dreg:$0x8] =	wrdreg s0  }
0x1c: {  	s6 =	simm.s32 $0x300;
	s0 =	simm.s32 $0x0;
	[dreg:$0x9] =	wrdreg s10  }
.LBB2_1:
0x1d: {  	[dreg:$0xc] =	wrdreg s0  }
0x1e: {  	s1 =	rddreg [dreg:$0x8]  }
0x1f: {  	[spmem:s14], [sflag:s10] =	dma.local [hbm:s1], $0x2800  }
0x20: {  	_ =	swait.ge [sflag:s16], $0x2800  }
0x21: {  	[sflag:s16] =	ssyncset.done $0x0  }
0x22: {  	s14 =	rddreg [dreg:$0x4];
	[sflag:s16] =	ssyncadd.s32 $0xFFFFD800  }
0x23: {  	[tilespmem:s4], [sflag:$0x5] =	stream.linear.gather [hbm4b:s14+s4], $0x400, $0x38;
	[tilespmem:$0x1D000] =	vst v63  }
0x24: {  	_ =	swait.ge [sflag:s16], $0x400  }
0x25: {  	[sflag:s16] =	ssyncset.done $0x0  }
0x26: {  	s22 =	rddreg [dreg:$0x5];
	[sflag:s16] =	ssyncadd.s32 $0xFFFFFC00  }
0x27: {  	[tilespmem:s25], [sflag:$0x5] =	stream.linear.gather [hbm4b:s22+s4], $0x400, $0x38;
	[tilespmem:$0x1D000] =	vst v63  }
0x28: {  	_ =	swait.ge [sflag:s16], $0x400  }
0x29: {  	[sflag:s16] =	ssyncset.done $0x0  }
0x2a: {  	[sflag:s16] =	ssyncadd.s32 $0xFFFFFC00  }
0x2b: {  	[bflag:$0x0] =	sbarrier.arrive $0xFFFF  }
0x2c: {  	s0 =	simm.s32 $0x500;
	s14 =	simm.s32 $0x0;
	s10 =	rddreg [dreg:$0xa]  }
.LBB2_2:
0x2d: {  	s1 =	sadd.s32 s14, s12  }
0x2e: {  	s22 =	sadd.s32 $0x80, s1  }
0x2f: {  	[tilespmem:s18], [sflag:$0x3] =	stream.linear.gather [hbm4b:s22+s4], $0x400, $0x38;
	[tilespmem:$0x1D000] =	vst v63  }
0x30: {  	s1 =	sadd.s32 $0xA080, s1  }
0x31: {  	[tilespmem:s19], [sflag:$0x4] =	stream.linear.gather [hbm4b:s1+s4], $0x400, $0x38;
	[tilespmem:$0x1D000] =	vst v63  }
0x32: {  	_ = 	snop  }
0x33: {  	[tilespmem:s21], [sflag:$0x1] =	stream.indirect.gather [hbm4b:s5+s20], $0x80, s4, s20, $0xb8;
	[tilespmem:$0x1D000] =	vst v63  }
0x34: {  	s22 =	simm.s32 $0x80  }
0x35: {  	[tilespmem:s23], [sflag:$0x2] =	stream.indirect.gather [hbm4b:s5+s20], $0x80, s22, s20, $0xb8;
	[tilespmem:$0x1D000] =	vst v63  }
0x36: {  	_ =	swait.ge [sflag:s24], $0x3E80  }
0x37: {  	[sflag:s24] =	ssyncset.done $0x0  }
0x38: {  	[sflag:s24] =	ssyncadd.s32 $0xFFFFC180  }
0x39: {  	[spmem:s2] =	stream.indirect.scatter.add.f32 [tilespmem:s21], [sflag:$0x5], $0x80, s25, s20, $0xb8;
	[tilespmem:$0x1D000] =	vst v63  }
0x3a: {  	_ =	swait.ge [sflag:s16], $0x3E80  }
0x3b: {  	[sflag:s16] =	ssyncset.done $0x0  }
0x3c: {  	s25 =	simm.s32 $0x100;
	[sflag:s16] =	ssyncadd.s32 $0xFFFFC180  }
0x3d: {  	[tilespmem:s21], [sflag:$0x1] =	stream.indirect.gather [hbm4b:s5+s20], $0x80, s25, s20, $0xb8;
	[tilespmem:$0x1D000] =	vst v63  }
0x3e: {  	_ =	swait.ge [sflag:s26], $0x3E80  }
0x3f: {  	[sflag:s26] =	ssyncset.done $0x0  }
0x40: {  	s22 =	simm.s32 $0x480;
	[sflag:s26] =	ssyncadd.s32 $0xFFFFC180  }
0x41: {  	[spmem:s2] =	stream.indirect.scatter.add.f32 [tilespmem:s23], [sflag:$0x5], $0x80, s22, s20, $0xb8;
	[tilespmem:$0x1D000] =	vst v63  }
0x42: {  	_ =	swait.ge [sflag:s16], $0x3E80  }
0x43: {  	[sflag:s16] =	ssyncset.done $0x0  }
0x44: {  	s25 =	simm.s32 $0x180;
	[sflag:s16] =	ssyncadd.s32 $0xFFFFC180  }
0x45: {  	[tilespmem:s23], [sflag:$0x2] =	stream.indirect.gather [hbm4b:s5+s20], $0x80, s25, s20, $0xb8;
	[tilespmem:$0x1D000] =	vst v63  }
0x46: {  	_ =	swait.ge [sflag:s24], $0x3E80  }
0x47: {  	[sflag:s24] =	ssyncset.done $0x0  }
0x48: {  	[sflag:s24] =	ssyncadd.s32 $0xFFFFC180  }
0x49: {  	[spmem:s2] =	stream.indirect.scatter.add.f32 [tilespmem:s21], [sflag:$0x5], $0x80, s0, s20, $0xb8;
	[tilespmem:$0x1D000] =	vst v63  }
0x4a: {  	_ =	swait.ge [sflag:s16], $0x3E80  }
0x4b: {  	[sflag:s16] =	ssyncset.done $0x0  }
0x4c: {  	[sflag:s16] =	ssyncadd.s32 $0xFFFFC180  }
0x4d: {  	[tilespmem:s21], [sflag:$0x1] =	stream.indirect.gather [hbm4b:s5+s20], $0x80, s3, s20, $0xb8;
	[tilespmem:$0x1D000] =	vst v63  }
0x4e: {  	_ =	swait.ge [sflag:s26], $0x3E80  }
0x4f: {  	[sflag:s26] =	ssyncset.done $0x0  }
0x50: {  	[sflag:s26] =	ssyncadd.s32 $0xFFFFC180  }
0x51: {  	[spmem:s2] =	stream.indirect.scatter.add.f32 [tilespmem:s23], [sflag:$0x5], $0x80, s7, s20, $0xb8;
	[tilespmem:$0x1D000] =	vst v63  }
0x52: {  	_ =	swait.ge [sflag:s16], $0x3E80  }
0x53: {  	[sflag:s16] =	ssyncset.done $0x0  }
0x54: {  	[sflag:s16] =	ssyncadd.s32 $0xFFFFC180  }
0x55: {  	[tilespmem:s23], [sflag:$0x2] =	stream.indirect.gather [hbm4b:s5+s20], $0x80, s8, s20, $0xb8;
	[tilespmem:$0x1D000] =	vst v63  }
0x56: {  	_ =	swait.ge [sflag:s24], $0x3E80  }
0x57: {  	[sflag:s24] =	ssyncset.done $0x0  }
0x58: {  	[sflag:s24] =	ssyncadd.s32 $0xFFFFC180  }
0x59: {  	[spmem:s2] =	stream.indirect.scatter.add.f32 [tilespmem:s21], [sflag:$0x5], $0x80, s9, s20, $0xb8;
	[tilespmem:$0x1D000] =	vst v63  }
0x5a: {  	_ =	swait.ge [sflag:s16], $0x3E80  }
0x5b: {  	[sflag:s16] =	ssyncset.done $0x0  }
0x5c: {  	[sflag:s16] =	ssyncadd.s32 $0xFFFFC180  }
0x5d: {  	[tilespmem:s21], [sflag:$0x1] =	stream.indirect.gather [hbm4b:s5+s20], $0x80, s6, s20, $0xb8;
	[tilespmem:$0x1D000] =	vst v63  }
0x5e: {  	_ =	swait.ge [sflag:s26], $0x3E80  }
0x5f: {  	[sflag:s26] =	ssyncset.done $0x0  }
0x60: {  	[sflag:s26] =	ssyncadd.s32 $0xFFFFC180  }
0x61: {  	[spmem:s2] =	stream.indirect.scatter.add.f32 [tilespmem:s23], [sflag:$0x5], $0x80, s28, s20, $0xb8;
	[tilespmem:$0x1D000] =	vst v63  }
0x62: {  	_ =	swait.ge [sflag:s16], $0x3E80  }
0x63: {  	[sflag:s16] =	ssyncset.done $0x0  }
0x64: {  	[sflag:s16] =	ssyncadd.s32 $0xFFFFC180  }
0x65: {  	[tilespmem:s23], [sflag:$0x2] =	stream.indirect.gather [hbm4b:s5+s20], $0x80, s29, s20, $0xb8;
	[tilespmem:$0x1D000] =	vst v63  }
0x66: {  	_ =	swait.ge [sflag:s24], $0x3E80  }
0x67: {  	[sflag:s24] =	ssyncset.done $0x0  }
0x68: {  	[sflag:s24] =	ssyncadd.s32 $0xFFFFC180  }
0x69: {  	[spmem:s2] =	stream.indirect.scatter.add.f32 [tilespmem:s21], [sflag:$0x5], $0x80, s30, s20, $0xb8;
	[tilespmem:$0x1D000] =	vst v63  }
0x6a: {  	_ =	swait.ge [sflag:s16], $0x3E80  }
0x6b: {  	[sflag:s16] =	ssyncset.done $0x0  }
0x6c: {  	[sflag:s16] =	ssyncadd.s32 $0xFFFFC180  }
0x6d: {  	_ =	swait.ge [sflag:s26], $0x3E80  }
0x6e: {  	[sflag:s26] =	ssyncset.done $0x0  }
0x6f: {  	[sflag:s26] =	ssyncadd.s32 $0xFFFFC180  }
0x70: {  	[spmem:s2] =	stream.indirect.scatter.add.f32 [tilespmem:s23], [sflag:$0x5], $0x80, s31, s20, $0xb8;
	[tilespmem:$0x1D000] =	vst v63  }
0x71: {  	_ =	swait.ge [sflag:s16], $0x3E80  }
0x72: {  	[sflag:s16] =	ssyncset.done $0x0  }
0x73: {  	[sflag:s16] =	ssyncadd.s32 $0xFFFFC180  }
0x74: {  	_ =	swait.ge [sflag:s11], $0x400  }
0x75: {  	[sflag:s11] =	ssyncset.done $0x0  }
0x76: {  	[sflag:s11] =	ssyncadd.s32 $0xFFFFFC00  }
0x77: {  	p0 =	seq.s32 s14, $0x400;
	_ =	swait.ge [sflag:s15], $0x400  }
0x78: {  	s1 =	sshrl.u32 @!p0 s10, $0x3;
	[sflag:s15] =	ssyncset.done $0x0  }
0x79: {  	s1 =	sadd.s32 @!p0 s17, s1;
	s22 =	simm.s32 @!p0 $0x0;
	[sflag:s15] =	ssyncadd.s32 $0xFFFFFC00  }
0x7a: {  	[tilespmem:s22], [sflag:$0x3] =	stream.linear.gather @!p0 [hbm4b:s1+s22], $0x400, $0x38;
	[tilespmem:$0x1D000] =	vst v63  }
0x7b: {  	s25 =	smov.u32 s17;
	s17 =	simm.s32 @!p0 $0x400;
	s1 =	sadd.s32 @!p0 s14, s13  }
0x7c: {  	[tilespmem:s17], [sflag:$0x4] =	stream.linear.gather @!p0 [hbm4b:s1+s22], $0x400, $0x38;
	[tilespmem:$0x1D000] =	vst v63  }
0x7d: {  	_ = 	snop  }
0x7e: {  	[tilespmem:s21], [sflag:$0x1] =	stream.indirect.gather [hbm4b:s5+s20], $0x80, s18, s20, $0xb8;
	[tilespmem:$0x1D000] =	vst v63  }
0x7f: {  	s1 =	simm.s32 $0x880  }
0x80: {  	[tilespmem:s23], [sflag:$0x2] =	stream.indirect.gather [hbm4b:s5+s20], $0x80, s1, s20, $0xb8;
	[tilespmem:$0x1D000] =	vst v63  }
0x81: {  	_ =	swait.ge [sflag:s24], $0x3E80  }
0x82: {  	[sflag:s24] =	ssyncset.done $0x0  }
0x83: {  	[sflag:s24] =	ssyncadd.s32 $0xFFFFC180  }
0x84: {  	[spmem:s2] =	stream.indirect.scatter.add.f32 [tilespmem:s21], [sflag:$0x5], $0x80, s19, s20, $0xb8;
	[tilespmem:$0x1D000] =	vst v63  }
0x85: {  	_ =	swait.ge [sflag:s16], $0x3E80  }
0x86: {  	[sflag:s16] =	ssyncset.done $0x0  }
0x87: {  	s22 =	simm.s32 $0x900;
	[sflag:s16] =	ssyncadd.s32 $0xFFFFC180  }
0x88: {  	[tilespmem:s21], [sflag:$0x1] =	stream.indirect.gather [hbm4b:s5+s20], $0x80, s22, s20, $0xb8;
	[tilespmem:$0x1D000] =	vst v63  }
0x89: {  	_ =	swait.ge [sflag:s26], $0x3E80  }
0x8a: {  	[sflag:s26] =	ssyncset.done $0x0  }
0x8b: {  	s1 =	simm.s32 $0xC80;
	[sflag:s26] =	ssyncadd.s32 $0xFFFFC180  }
0x8c: {  	[spmem:s2] =	stream.indirect.scatter.add.f32 [tilespmem:s23], [sflag:$0x5], $0x80, s1, s20, $0xb8;
	[tilespmem:$0x1D000] =	vst v63  }
0x8d: {  	_ =	swait.ge [sflag:s16], $0x3E80  }
0x8e: {  	[sflag:s16] =	ssyncset.done $0x0  }
0x8f: {  	s22 =	simm.s32 $0x980;
	[sflag:s16] =	ssyncadd.s32 $0xFFFFC180  }
0x90: {  	[tilespmem:s23], [sflag:$0x2] =	stream.indirect.gather [hbm4b:s5+s20], $0x80, s22, s20, $0xb8;
	[tilespmem:$0x1D000] =	vst v63  }
0x91: {  	_ =	swait.ge [sflag:s24], $0x3E80  }
0x92: {  	[sflag:s24] =	ssyncset.done $0x0  }
0x93: {  	s1 =	simm.s32 $0xD00;
	[sflag:s24] =	ssyncadd.s32 $0xFFFFC180  }
0x94: {  	[spmem:s2] =	stream.indirect.scatter.add.f32 [tilespmem:s21], [sflag:$0x5], $0x80, s1, s20, $0xb8;
	[tilespmem:$0x1D000] =	vst v63  }
0x95: {  	_ =	swait.ge [sflag:s16], $0x3E80  }
0x96: {  	[sflag:s16] =	ssyncset.done $0x0  }
0x97: {  	s22 =	simm.s32 $0xA00;
	[sflag:s16] =	ssyncadd.s32 $0xFFFFC180  }
0x98: {  	[tilespmem:s21], [sflag:$0x1] =	stream.indirect.gather [hbm4b:s5+s20], $0x80, s22, s20, $0xb8;
	[tilespmem:$0x1D000] =	vst v63  }
0x99: {  	_ =	swait.ge [sflag:s26], $0x3E80  }
0x9a: {  	[sflag:s26] =	ssyncset.done $0x0  }
0x9b: {  	s1 =	simm.s32 $0xD80;
	[sflag:s26] =	ssyncadd.s32 $0xFFFFC180  }
0x9c: {  	[spmem:s2] =	stream.indirect.scatter.add.f32 [tilespmem:s23], [sflag:$0x5], $0x80, s1, s20, $0xb8;
	[tilespmem:$0x1D000] =	vst v63  }
0x9d: {  	_ =	swait.ge [sflag:s16], $0x3E80  }
0x9e: {  	[sflag:s16] =	ssyncset.done $0x0  }
0x9f: {  	s22 =	simm.s32 $0xA80;
	[sflag:s16] =	ssyncadd.s32 $0xFFFFC180  }
0xa0: {  	[tilespmem:s23], [sflag:$0x2] =	stream.indirect.gather [hbm4b:s5+s20], $0x80, s22, s20, $0xb8;
	[tilespmem:$0x1D000] =	vst v63  }
0xa1: {  	_ =	swait.ge [sflag:s24], $0x3E80  }
0xa2: {  	[sflag:s24] =	ssyncset.done $0x0  }
0xa3: {  	s1 =	simm.s32 $0xE00;
	[sflag:s24] =	ssyncadd.s32 $0xFFFFC180  }
0xa4: {  	[spmem:s2] =	stream.indirect.scatter.add.f32 [tilespmem:s21], [sflag:$0x5], $0x80, s1, s20, $0xb8;
	[tilespmem:$0x1D000] =	vst v63  }
0xa5: {  	_ =	swait.ge [sflag:s16], $0x3E80  }
0xa6: {  	[sflag:s16] =	ssyncset.done $0x0  }
0xa7: {  	s22 =	simm.s32 $0xB00;
	[sflag:s16] =	ssyncadd.s32 $0xFFFFC180  }
0xa8: {  	[tilespmem:s21], [sflag:$0x1] =	stream.indirect.gather [hbm4b:s5+s20], $0x80, s22, s20, $0xb8;
	[tilespmem:$0x1D000] =	vst v63  }
0xa9: {  	_ =	swait.ge [sflag:s26], $0x3E80  }
0xaa: {  	[sflag:s26] =	ssyncset.done $0x0  }
0xab: {  	s1 =	simm.s32 $0xE80;
	[sflag:s26] =	ssyncadd.s32 $0xFFFFC180  }
0xac: {  	[spmem:s2] =	stream.indirect.scatter.add.f32 [tilespmem:s23], [sflag:$0x5], $0x80, s1, s20, $0xb8;
	[tilespmem:$0x1D000] =	vst v63  }
0xad: {  	_ =	swait.ge [sflag:s16], $0x3E80  }
0xae: {  	[sflag:s16] =	ssyncset.done $0x0  }
0xaf: {  	s22 =	simm.s32 $0xB80;
	[sflag:s16] =	ssyncadd.s32 $0xFFFFC180  }
0xb0: {  	[tilespmem:s23], [sflag:$0x2] =	stream.indirect.gather [hbm4b:s5+s20], $0x80, s22, s20, $0xb8;
	[tilespmem:$0x1D000] =	vst v63  }
0xb1: {  	_ =	swait.ge [sflag:s24], $0x3E80  }
0xb2: {  	[sflag:s24] =	ssyncset.done $0x0  }
0xb3: {  	s1 =	simm.s32 $0xF00;
	[sflag:s24] =	ssyncadd.s32 $0xFFFFC180  }
0xb4: {  	[spmem:s2] =	stream.indirect.scatter.add.f32 [tilespmem:s21], [sflag:$0x5], $0x80, s1, s20, $0xb8;
	[tilespmem:$0x1D000] =	vst v63  }
0xb5: {  	_ =	swait.ge [sflag:s16], $0x3E80  }
0xb6: {  	[sflag:s16] =	ssyncset.done $0x0  }
0xb7: {  	[sflag:s16] =	ssyncadd.s32 $0xFFFFC180  }
0xb8: {  	_ =	swait.ge [sflag:s26], $0x3E80  }
0xb9: {  	[sflag:s26] =	ssyncset.done $0x0  }
0xba: {  	s22 =	simm.s32 $0xF80;
	[sflag:s26] =	ssyncadd.s32 $0xFFFFC180  }
0xbb: {  	[spmem:s2] =	stream.indirect.scatter.add.f32 [tilespmem:s23], [sflag:$0x5], $0x80, s22, s20, $0xb8;
	[tilespmem:$0x1D000] =	vst v63  }
0xbc: {  	_ =	swait.ge [sflag:s16], $0x3E80  }
0xbd: {  	s14 =	sadd.s32 @!p0 $0x100, s14;
	[sflag:s16] =	ssyncset.done $0x0  }
0xbe: {  	p1 =	sne.s32 @!p0 s14, $0x500;
	s1 =	simm.s32 @!p0 $0x3;
	[sflag:s16] =	ssyncadd.s32 $0xFFFFC180  }
0xbf: {  	p1 =	por p0, !p1;
	_ =	swait.ge @!p0 [sflag:s1], $0x400  }
.Ltmp0:
0xc0: {  	[sflag:s1] =	ssyncset.done @!p0 $0x0;
	(pc) =	sbr.rel @!p1 .LBB2_2-.Ltmp0, $4  }
0xc1: {  	[sflag:s1] =	ssyncadd.s32 @!p0 $0xFFFFFC00;
	s1 =	simm.s32 @!p0 $0x4  }
0xc2: {  	_ =	swait.ge @!p0 [sflag:s1], $0x400  }
0xc3: {  	s10 =	sadd.s32 @!p0 $0x800, s10;
	[sflag:s1] =	ssyncset.done @!p0 $0x0  }
0xc4: {  	s17 =	smov.u32 s25;
	s25 =	simm.s32 $0x400;
	[sflag:s1] =	ssyncadd.s32 @!p0 $0xFFFFFC00  }
0xc5: {  	[bflag:$0x0] =	sbarrier.arrive $0xFFFF  }
0xc6: {  	s1 =	rddreg [dreg:$0x6]  }
0xc7: {  	s10 =	rddreg [dreg:$0x9]  }
0xc8: {  	s14 =	rddreg [dreg:$0xb]  }
0xc9: {  	[hbm:s1], [sflag:s10] =	dma.local [spmem:s14], $0x2800  }
0xca: {  	_ =	swait.ge [sflag:s16], $0x2800  }
0xcb: {  	s0 =	rddreg [dreg:$0xc]  }
0xcc: {  	s22 =	rddreg [dreg:$0x7];
	s0 =	sadd.s32 $0x1, s0  }
0xcd: {  	p0 =	sne.s32 s0, s22  }
.Ltmp1:
0xce: {  	_ = 	snop;
	(pc) =	sbr.rel @p0 .LBB2_1-.Ltmp1, $3  }
0xcf: {  	_ =	sdelay $0x1  }
0xd0: {  	[sflag:s16] =	ssyncset.done $0x0  }
0xd1: {  	[sflag:s16] =	ssyncadd.s32 $0xFFFFD800  }
0xd2: {  	_ =	sfence.sel $0x180000  }
0xd3: {  	[bflag:$0x0] =	sbarrier.arrive $0xFFFF  }
0xd4: {  	_ =	strace $0x9000004A  }
0xd5: {  	s0 =	stileid.u32;
	[bflag:$0x2] =	sbarrier.arrive $0xFFFF  }
0xd6: {  	p0 =	sne.s32 s0, $0x0;
	s0 =	rddreg [dreg:$0x3]  }
0xd7: {  	s0 =	sadd.s32 @!p0 $0x100000, s0  }
0xd8: {  	[sflag:s0] =	ssyncadd.tile.s32 @!p0 $0x1;
	_ =	shalt  }
.Lfunc_end2:
_tile_overlayer_lowered:
.L_overlay_start_2:
0xd9: {  	(tag) =	ssettag $0x2  }
0xda: {  	s0 =	rddreg [dreg:$0x0];
	s2 =	stileid.u32  }
0xdb: {  	s1 =	rddreg [dreg:$0x1];
	p0 =	sne.s32 s2, $0x0  }
0xdc: {  	s3 =	rddreg [dreg:$0x2];
	[bflag:$0x3] =	sbarrier.arrive $0xFFFF;
	s2 =	simm.s32 @!p0 $0x1C05  }
0xdd: {  	[timem:s3], [sflag:s2] =	dma.local @!p0 [hbm:s0], s1  }
0xde: {  	s0 =	simm.s32 @!p0 $0x5  }
0xdf: {  	_ =	swait.ge @!p0 [sflag:s0], s1  }
0xe0: {  	s1 =	ssub.s32 @!p0 $0x0, s1;
	[sflag:s0] =	ssyncset.done @!p0 $0x0  }
0xe1: {  	[sflag:s0] =	ssyncadd.s32 @!p0 s1  }
0xe2: {  	[bflag:$0x3] =	sbarrier.arrive $0xFFFF  }
0xe3: {  	_ =	shalt  }

</sc_bundles>
